<compile_context>
chip_gen: v7x
topology: tpu7x:2x2x1
jax: 0.10.2.dev20260603
libtpu: 0.0.44.dev20260713+nightly
codegen_flags: <defaults>
</compile_context>

<pallas_src>
import functools

import jax
import jax.numpy as jnp
from jax import lax
from jax.experimental import pallas as pl
from jax.experimental.pallas import tpu as pltpu
from jax.experimental.pallas import tpu_sc as plsc

F = 12
GP = 16
NC, NS = 2, 16
NW = NC * NS
CH = 2560


def _front_body(x_ref, fewt_ref, feb_ref, p1_ref, p2_ref, p3_ref,
                h_ref, g1_ref, g2_ref, g3_ref):
    h = jnp.dot(x_ref[...], fewt_ref[...], preferred_element_type=jnp.float32)
    h = jnp.maximum(h + feb_ref[...], 0.0)
    h_ref[...] = h
    g1_ref[...] = jnp.dot(h, p1_ref[...], preferred_element_type=jnp.float32).astype(jnp.bfloat16)
    g2_ref[...] = jnp.dot(h, p2_ref[...], preferred_element_type=jnp.float32).astype(jnp.bfloat16)
    g3_ref[...] = jnp.dot(h, p3_ref[...], preferred_element_type=jnp.float32).astype(jnp.bfloat16)


def _front(xs, fe_Wt, fe_b2, p1, p2, p3, interpret=False):
    N = xs.shape[0]
    R = 2000
    assert N % R == 0
    grid = (N // R,)
    full = lambda a: pl.BlockSpec(a.shape, lambda i: (0,) * a.ndim)
    return pl.pallas_call(
        _front_body,
        grid=grid,
        in_specs=[
            pl.BlockSpec((R, xs.shape[1]), lambda i: (i, 0)),
            full(fe_Wt), full(fe_b2), full(p1), full(p2), full(p3),
        ],
        out_specs=[
            pl.BlockSpec((R, F), lambda i: (i, 0)),
            pl.BlockSpec((R, GP), lambda i: (i, 0)),
            pl.BlockSpec((R, GP), lambda i: (i, 0)),
            pl.BlockSpec((R, GP), lambda i: (i, 0)),
        ],
        out_shape=[
            jax.ShapeDtypeStruct((N, F), jnp.float32),
            jax.ShapeDtypeStruct((N, GP), jnp.bfloat16),
            jax.ShapeDtypeStruct((N, GP), jnp.bfloat16),
            jax.ShapeDtypeStruct((N, GP), jnp.bfloat16),
        ],
        interpret=interpret,
    )(xs, fe_Wt, fe_b2, p1, p2, p3)


def _sc_gather(g1, g2, g3, i1, i2, i3, totp):
    cpw = totp // NW // CH
    NBUF = 4
    assert cpw % NBUF == 0
    mesh = plsc.VectorSubcoreMesh(core_axis_name="c", subcore_axis_name="s")

    N = g1.shape[0]
    rps = N // NS
    assert rps * NS == N

    @functools.partial(
        pl.kernel,
        out_type=[jax.ShapeDtypeStruct((totp, GP), jnp.bfloat16)] * 3,
        mesh=mesh,
        scratch_types=(
            [pltpu.VMEM((CH,), jnp.int32)] * NBUF
            + [pltpu.VMEM((CH, GP), jnp.bfloat16)] * NBUF
            + [pltpu.VMEM_SHARED((N, GP), jnp.bfloat16)]
            + [pltpu.SemaphoreType.DMA] * (3 * NBUF)
        ),
        compiler_params=pltpu.CompilerParams(use_tc_tiling_on_sc=False),
    )
    def k(t1, t2, t3, x1, x2, x3, o1, o2, o3, *scr):
        idx_v = scr[:NBUF]
        rows_v = scr[NBUF:2 * NBUF]
        sp_tab = scr[2 * NBUF]
        xsem = scr[2 * NBUF + 1:3 * NBUF + 1]
        gsem = scr[3 * NBUF + 1:4 * NBUF + 1]
        ssem = scr[4 * NBUF + 1:5 * NBUF + 1]
        sid = lax.axis_index("s")
        wid = sid * NC + lax.axis_index("c")
        base = wid * (cpw * CH)

        def run_branch(tab_hbm, ix, out):
            pltpu.sync_copy(tab_hbm.at[pl.ds(sid * rps, rps)],
                            sp_tab.at[pl.ds(sid * rps, rps)])
            plsc.subcore_barrier()

            def group(g, carry):
                c0 = base + g * (NBUF * CH)
                hx = [pltpu.async_copy(ix.at[pl.ds(c0 + b * CH, CH)],
                                       idx_v[b], xsem[b])
                      for b in range(NBUF)]
                hg = []
                for b in range(NBUF):
                    hx[b].wait()
                    hg.append(pltpu.async_copy(sp_tab.at[idx_v[b]], rows_v[b],
                                               gsem[b]))
                hs = []
                for b in range(NBUF):
                    hg[b].wait()
                    hs.append(pltpu.async_copy(
                        rows_v[b], out.at[pl.ds(c0 + b * CH, CH)], ssem[b]))
                for b in range(NBUF):
                    hs[b].wait()
                return carry

            lax.fori_loop(0, cpw // NBUF, group, 0)
            plsc.subcore_barrier()

        for tab_hbm, ix, out in ((t1, x1, o1), (t2, x2, o2), (t3, x3, o3)):
            run_branch(tab_hbm, ix, out)

    return k(g1, g2, g3, i1, i2, i3)


def _back_body(rep_ref, nodes_ref, fold_ref, h_ref, d1_ref, d2_ref, d3_ref,
               ga1_ref, ga2_ref, ga3_ref,
               wdb1_ref, bmb1_ref, wuht1_ref, wumt1_ref, bu1_ref,
               wdb2_ref, bmb2_ref, wuht2_ref, wumt2_ref, bu2_ref,
               wdb3_ref, bmb3_ref, wuht3_ref, wumt3_ref, bu3_ref,
               o1_ref, o2_ref, o3_ref):
    h = h_ref[...]
    R = h.shape[0]
    rep = rep_ref[...]
    nodes = nodes_ref[...]
    fold = fold_ref[...]
    branches = (
        (d1_ref, ga1_ref, wdb1_ref, bmb1_ref, wuht1_ref, wumt1_ref, bu1_ref, o1_ref),
        (d2_ref, ga2_ref, wdb2_ref, bmb2_ref, wuht2_ref, wumt2_ref, bu2_ref, o2_ref),
        (d3_ref, ga3_ref, wdb3_ref, bmb3_ref, wuht3_ref, wumt3_ref, bu3_ref, o3_ref),
    )
    for d_ref, ga_ref, wdb_ref, bmb_ref, wuht_ref, wumt_ref, bu_ref, o_ref in branches:
        dp = d_ref[...]
        dpr = jnp.dot(dp, rep, preferred_element_type=jnp.float32)
        diff = dpr - nodes
        ep = jnp.exp(-(diff * diff) / 2.0 / jnp.float32(0.015) ** 2)
        tp = jnp.dot(ep.astype(jnp.bfloat16), wdb_ref[...],
                     preferred_element_type=jnp.float32) + bmb_ref[...]
        z = jnp.maximum(ga_ref[...].astype(jnp.float32) + tp, 0.0)
        z2 = z.reshape(R, -1, 128).sum(axis=1)
        s = jnp.dot(z2, fold, preferred_element_type=jnp.float32)
        u = (jnp.dot(h, wuht_ref[...], preferred_element_type=jnp.float32)
             + jnp.dot(s, wumt_ref[...], preferred_element_type=jnp.float32)
             + bu_ref[...])
        o_ref[...] = jax.nn.sigmoid(u).reshape(1, R, F)


def _back(h, dp1, dp2, dp3, ga1, ga2, ga3, wparams, interpret=False):
    N = h.shape[0]
    RP = dp1.shape[0] // N
    R = 1000
    assert N % R == 0
    grid = (N // R,)
    full = lambda a: pl.BlockSpec(a.shape, lambda i: (0,) * a.ndim)
    node_spec = pl.BlockSpec((R, F), lambda i: (i, 0))
    dist_spec = pl.BlockSpec((R * RP, 8), lambda i: (i, 0))
    ga_spec = pl.BlockSpec((R * RP, 128), lambda i: (i, 0))
    out_spec = pl.BlockSpec((1, R, F), lambda i: (0, i, 0))

    nodes = jnp.linspace(0.0, 0.3, F, dtype=jnp.float32)
    nodes_t = jnp.tile(jnp.pad(nodes, (0, GP - F)), 8).reshape(1, 128)
    rep = jnp.kron(jnp.eye(8, dtype=jnp.float32),
                   jnp.ones((1, GP), jnp.float32))
    fold = jnp.tile(jnp.eye(GP, dtype=jnp.float32)[:, :F], (8, 1))

    in_specs = [full(rep), full(nodes_t), full(fold), node_spec,
                dist_spec, dist_spec, dist_spec, ga_spec, ga_spec, ga_spec]
    in_specs += [full(w) for w in wparams]
    return pl.pallas_call(
        _back_body,
        grid=grid,
        in_specs=in_specs,
        out_specs=[out_spec] * 3,
        out_shape=[jax.ShapeDtypeStruct((1, N, F), jnp.float32)] * 3,
        compiler_params=pltpu.CompilerParams(vmem_limit_bytes=100 * 2**20),
        interpret=interpret,
    )(rep, nodes_t, fold, h, dp1, dp2, dp3, ga1, ga2, ga3, *wparams)


def kernel(x, d1, d0, dm1, mask, fe_W, fe_b, fm1_W, fm1_b, fu1_W, fu1_b,
           fmm1_W, fmm1_b, fum1_W, fum1_b, fm0_W, fm0_b, fu0_W, fu0_b):
    B, N, F_in = x.shape
    K = d1.shape[2]
    tot = N * K
    totp = ((tot + NW * CH - 1) // (NW * CH)) * (NW * CH)

    xs = x.reshape(N, F_in)

    def split_d(d):
        idx = d[0, :, :, 0].astype(jnp.int32).reshape(tot)
        idx = jnp.pad(idx, (0, totp - tot))
        return idx, d[0, :, :, 1].reshape(tot // 8, 8)

    i1, dd1 = split_d(d1)
    i0, dd0 = split_d(d0)
    im1, ddm1 = split_d(dm1)

    def prep(Wm, bm, Wu, bu):
        p = jnp.zeros((F, GP), jnp.float32).at[:, :F].set(Wm[:, :F].T)
        wdt16 = jnp.zeros((GP, GP), jnp.float32).at[:F, :F].set(Wm[:, F:].T)
        wdb = jnp.kron(jnp.eye(8, dtype=jnp.float32), wdt16)
        bmb = jnp.tile(jnp.pad(bm, (0, GP - F)), 8).reshape(1, 128)
        return (p, wdb.astype(jnp.bfloat16), bmb,
                Wu[:, :F].T, Wu[:, F:].T, bu.reshape(1, F))

    p1, wdb1, bmb1, wuht1, wumt1, bu1 = prep(fm1_W, fm1_b, fu1_W, fu1_b)
    p0, wdb0, bmb0, wuht0, wumt0, bu0 = prep(fm0_W, fm0_b, fu0_W, fu0_b)
    pm1, wdbm1, bmbm1, wuhtm1, wumtm1, bum1 = prep(fmm1_W, fmm1_b, fum1_W, fum1_b)

    h, g1, g0, gm1 = _front(xs, fe_W.T, fe_b.reshape(1, F), p1, p0, pm1)

    ga1, ga0, gam1 = _sc_gather(g1, g0, gm1, i1, i0, im1, totp)
    ga1 = ga1.reshape(totp // 8, 128)
    ga0 = ga0.reshape(totp // 8, 128)
    gam1 = gam1.reshape(totp // 8, 128)

    wparams = (wdb1, bmb1, wuht1, wumt1, bu1,
               wdb0, bmb0, wuht0, wumt0, bu0,
               wdbm1, bmbm1, wuhtm1, wumtm1, bum1)
    o1, o0, om1 = _back(h, dd1, dd0, ddm1, ga1, ga0, gam1, wparams)

    return (o1, o0, om1)

# --- scband reference (transcript-rebuilt; emitter-appended) ---
"""Pipeline reference for scband-mpnn-5643587027232 (READ-ONLY COPY).

The authoritative reference and input builder live on the scoring server;
editing this copy changes nothing except your own understanding.
"""

import jax, jax.numpy as jnp
import numpy as np

N_FEATURE = 12

def _make_d(key, B, N, K):
    k1, k2 = jax.random.split(key)
    idx = jax.random.randint(k1, (B, N, K), 0, N).astype(jnp.float32)
    dist = jax.random.uniform(k2, (B, N, K), minval=0.0, maxval=0.3, dtype=jnp.float32)
    return jnp.stack([idx, dist], axis=-1)

def _linear_params(key, out_f, in_f):
    bound = 1.0 / np.sqrt(in_f)
    kw, kb = jax.random.split(key)
    W = jax.random.uniform(kw, (out_f, in_f), minval=-bound, maxval=bound, dtype=jnp.float32)
    b = jax.random.uniform(kb, (out_f,), minval=-bound, maxval=bound, dtype=jnp.float32)
    return W, b

def setup_inputs(seed: int = 0):
    key = jax.random.key(seed)
    ks = jax.random.split(key, 12)
    B, N, K, F_in = 1, 50000, 32, 128
    x = jax.random.normal(ks[0], (B, N, F_in), dtype=jnp.float32)
    d1 = _make_d(ks[1], B, N, K)
    d0 = _make_d(ks[2], B, N, K)
    dm1 = _make_d(ks[3], B, N, K)
    mask = jnp.ones((B, N), dtype=jnp.float32)
    fe_W, fe_b = _linear_params(ks[4], N_FEATURE, F_in)
    fm1_W, fm1_b = _linear_params(ks[5], N_FEATURE, N_FEATURE + 12)
    fu1_W, fu1_b = _linear_params(ks[6], N_FEATURE, N_FEATURE * 2)
    fmm1_W, fmm1_b = _linear_params(ks[7], N_FEATURE, N_FEATURE + 12)
    fum1_W, fum1_b = _linear_params(ks[8], N_FEATURE, N_FEATURE * 2)
    fm0_W, fm0_b = _linear_params(ks[9], N_FEATURE, N_FEATURE + 12)
    fu0_W, fu0_b = _linear_params(ks[10], N_FEATURE, N_FEATURE * 2)
    return {"x": x, "d1": d1, "d0": d0, "dm1": dm1, "mask": mask,
            "fe_W": fe_W, "fe_b": fe_b,
            "fm1_W": fm1_W, "fm1_b": fm1_b, "fu1_W": fu1_W, "fu1_b": fu1_b,
            "fmm1_W": fmm1_W, "fmm1_b": fmm1_b, "fum1_W": fum1_W, "fum1_b": fum1_b,
            "fm0_W": fm0_W, "fm0_b": fm0_b, "fu0_W": fu0_W, "fu0_b": fu0_b}

def _branch(h, d, Wm, bm, Wu, bu, nodes):
    first = d[..., 0:1]
    second = d[..., 1]
    expanded = jnp.exp(-(second[..., None] - nodes.reshape(1, -1)) ** 2 / 2.0 / 0.015 ** 2)
    d_final = jnp.concatenate([first, expanded], axis=-1)
    idx = d_final[..., 0].astype(jnp.int32)
    dd = d_final[..., 1:]
    B, N, K = idx.shape
    F = h.shape[-1]
    h_exp = jnp.broadcast_to(h[:, :, None, :], (B, N, K, F))
    idx_exp = jnp.broadcast_to(idx[..., None], (B, N, K, F))
    hj = jnp.take_along_axis(h_exp, idx_exp, axis=1)
    hd = jnp.concatenate([hj, dd], axis=-1)
    m = jax.nn.relu(hd @ Wm.T + bm).sum(axis=2)
    m = jnp.concatenate([h, m], axis=-1)
    return jax.nn.sigmoid(m @ Wu.T + bu)

def reference(x, d1, d0, dm1, mask, fe_W, fe_b, fm1_W, fm1_b, fu1_W, fu1_b, fmm1_W, fmm1_b, fum1_W, fum1_b, fm0_W, fm0_b, fu0_W, fu0_b):
    nodes = jnp.linspace(0.0, 0.3, N_FEATURE)
    h = jax.nn.relu(x @ fe_W.T + fe_b)
    h1 = _branch(h, d1, fm1_W, fm1_b, fu1_W, fu1_b, nodes)
    h0 = _branch(h, d0, fm0_W, fm0_b, fu0_W, fu0_b, nodes)
    hm1 = _branch(h, dm1, fmm1_W, fmm1_b, fum1_W, fum1_b, nodes)
    return (h1, h0, hm1)

if __name__ == "__main__":
    import jax
    _d = setup_inputs()
    print(jax.jit(kernel)(*tuple(_d.values())))

</pallas_src>

<mosaic_0001>
#map = affine_map<(d0, d1) -> (0, 0)>
#map1 = affine_map<(d0, d1) -> (0)>
module attributes {stable_mosaic.version = 14 : i64} {
  func.func @k(%arg0: i32, %arg1: i32, %arg2: memref<50000x16xbf16, #tpu.memory_space<hbm>>, %arg3: memref<50000x16xbf16, #tpu.memory_space<hbm>>, %arg4: memref<50000x16xbf16, #tpu.memory_space<hbm>>, %arg5: memref<1638400xi32, #tpu.memory_space<hbm>>, %arg6: memref<1638400xi32, #tpu.memory_space<hbm>>, %arg7: memref<1638400xi32, #tpu.memory_space<hbm>>, %arg8: memref<1638400x16xbf16, #tpu.memory_space<hbm>>, %arg9: memref<1638400x16xbf16, #tpu.memory_space<hbm>>, %arg10: memref<1638400x16xbf16, #tpu.memory_space<hbm>>, %arg11: memref<2560xi32, #tpu.memory_space<vmem>>, %arg12: memref<2560xi32, #tpu.memory_space<vmem>>, %arg13: memref<2560xi32, #tpu.memory_space<vmem>>, %arg14: memref<2560xi32, #tpu.memory_space<vmem>>, %arg15: memref<2560x16xbf16, #tpu.memory_space<vmem>>, %arg16: memref<2560x16xbf16, #tpu.memory_space<vmem>>, %arg17: memref<2560x16xbf16, #tpu.memory_space<vmem>>, %arg18: memref<2560x16xbf16, #tpu.memory_space<vmem>>, %arg19: memref<50000x16xbf16, #tpu.memory_space<vmem_shared>>, %arg20: memref<!tpu.dma_semaphore, #tpu.memory_space<semaphore_mem>>, %arg21: memref<!tpu.dma_semaphore, #tpu.memory_space<semaphore_mem>>, %arg22: memref<!tpu.dma_semaphore, #tpu.memory_space<semaphore_mem>>, %arg23: memref<!tpu.dma_semaphore, #tpu.memory_space<semaphore_mem>>, %arg24: memref<!tpu.dma_semaphore, #tpu.memory_space<semaphore_mem>>, %arg25: memref<!tpu.dma_semaphore, #tpu.memory_space<semaphore_mem>>, %arg26: memref<!tpu.dma_semaphore, #tpu.memory_space<semaphore_mem>>, %arg27: memref<!tpu.dma_semaphore, #tpu.memory_space<semaphore_mem>>, %arg28: memref<!tpu.dma_semaphore, #tpu.memory_space<semaphore_mem>>, %arg29: memref<!tpu.dma_semaphore, #tpu.memory_space<semaphore_mem>>, %arg30: memref<!tpu.dma_semaphore, #tpu.memory_space<semaphore_mem>>, %arg31: memref<!tpu.dma_semaphore, #tpu.memory_space<semaphore_mem>>) attributes {dimension_semantics = [#tpu.dimension_semantics<core_parallel>, #tpu.dimension_semantics<subcore_parallel>], iteration_bounds = array<i64: 2, 16>, scalar_prefetch = 0 : i64, scratch_operands = 21 : i64, tpu.core_type = #tpu.core_type<sc_vector_subcore>, window_params = [{transform_indices = #map}, {transform_indices = #map}, {transform_indices = #map}, {transform_indices = #map1}, {transform_indices = #map1}, {transform_indices = #map1}, {transform_indices = #map}, {transform_indices = #map}, {transform_indices = #map}]} {
    %mul3A = arith.constant 2 : i32
    %mul3A_0 = arith.muli %arg1, %mul3A : i32
    %add3A = arith.addi %mul3A_0, %arg0 : i32
    %mul3A_1 = arith.constant 51200 : i32
    %mul3A_2 = arith.muli %add3A, %mul3A_1 : i32
    %mul3A_3 = arith.constant 3125 : i32
    %mul3A_4 = arith.muli %arg1, %mul3A_3 : i32
    %mul3A_5 = arith.constant 3125 : i32
    %mul3A_6 = arith.muli %arg1, %mul3A_5 : i32
    "tpu.region"() ({
      %run_scoped3A = tpu.sem_alloc : memref<!tpu.dma_semaphore, #tpu.memory_space<semaphore_mem>>
      %dma_start3A = arith.constant 0 : i32
      %dma_start3A_37 = tpu.memref_slice %arg19[%mul3A_6, %dma_start3A] : memref<50000x16xbf16, #tpu.memory_space<vmem_shared>> -> memref<3125x16xbf16, #tpu.memory_space<vmem_shared>>
      %dma_start3A_38 = arith.constant 0 : i32
      %dma_start3A_39 = tpu.memref_slice %arg2[%mul3A_4, %dma_start3A_38] : memref<50000x16xbf16, #tpu.memory_space<hbm>> -> memref<3125x16xbf16, #tpu.memory_space<hbm>>
      tpu.enqueue_dma source(%dma_start3A_39 : memref<3125x16xbf16, #tpu.memory_space<hbm>>) target(%dma_start3A_37 : memref<3125x16xbf16, #tpu.memory_space<vmem_shared>>) target_semaphore(%run_scoped3A : memref<!tpu.dma_semaphore, #tpu.memory_space<semaphore_mem>>)
      %dma_wait3A = arith.constant 0 : i32
      %dma_wait3A_40 = tpu.memref_slice %arg19[%mul3A_6, %dma_wait3A] : memref<50000x16xbf16, #tpu.memory_space<vmem_shared>> -> memref<3125x16xbf16, #tpu.memory_space<vmem_shared>>
      %dma_wait3A_41 = arith.constant 0 : i32
      %dma_wait3A_42 = tpu.memref_slice %arg2[%mul3A_4, %dma_wait3A_41] : memref<50000x16xbf16, #tpu.memory_space<hbm>> -> memref<3125x16xbf16, #tpu.memory_space<hbm>>
      tpu.wait_dma2 semaphore(%run_scoped3A : memref<!tpu.dma_semaphore, #tpu.memory_space<semaphore_mem>>) src(%dma_wait3A_42 : memref<3125x16xbf16, #tpu.memory_space<hbm>>) dst(%dma_wait3A_40 : memref<3125x16xbf16, #tpu.memory_space<vmem_shared>>)
      tpu.yield
    }) : () -> ()
    %barrier3A = arith.constant 0 : index
    tpu.barrier barrier_id(%barrier3A)
    %scan3A = arith.constant 0 : i32
    %scan3A_7 = arith.constant 0 : i32
    %scan3A_8 = arith.constant 5 : i32
    %scan3A_9 = arith.addi %scan3A_7, %scan3A_8 : i32
    %scan3A_10 = arith.constant 1 : i32
    scf.for %scan3A_37 = %scan3A_7 to %scan3A_9 step %scan3A_10  : i32 {
      %mul3A_38 = arith.constant 10240 : i32
      %mul3A_39 = arith.muli %scan3A_37, %mul3A_38 : i32
      %add3A_40 = arith.addi %mul3A_2, %mul3A_39 : i32
      %add3A_41 = arith.constant 0 : i32
      %add3A_42 = arith.addi %add3A_40, %add3A_41 : i32
      %dma_start3A = tpu.memref_slice %arg5[%add3A_42] : memref<1638400xi32, #tpu.memory_space<hbm>> -> memref<2560xi32, #tpu.memory_space<hbm>>
      %dma_start3A_43 = tpu.memref_slice %arg5[%add3A_42] : memref<1638400xi32, #tpu.memory_space<hbm>> -> memref<2560xi32, #tpu.memory_space<hbm>>
      tpu.enqueue_dma source(%dma_start3A_43 : memref<2560xi32, #tpu.memory_space<hbm>>) target(%arg11 : memref<2560xi32, #tpu.memory_space<vmem>>) target_semaphore(%arg20 : memref<!tpu.dma_semaphore, #tpu.memory_space<semaphore_mem>>)
      %add3A_44 = arith.constant 2560 : i32
      %add3A_45 = arith.addi %add3A_40, %add3A_44 : i32
      %dma_start3A_46 = tpu.memref_slice %arg5[%add3A_45] : memref<1638400xi32, #tpu.memory_space<hbm>> -> memref<2560xi32, #tpu.memory_space<hbm>>
      %dma_start3A_47 = tpu.memref_slice %arg5[%add3A_45] : memref<1638400xi32, #tpu.memory_space<hbm>> -> memref<2560xi32, #tpu.memory_space<hbm>>
      tpu.enqueue_dma source(%dma_start3A_47 : memref<2560xi32, #tpu.memory_space<hbm>>) target(%arg12 : memref<2560xi32, #tpu.memory_space<vmem>>) target_semaphore(%arg21 : memref<!tpu.dma_semaphore, #tpu.memory_space<semaphore_mem>>)
      %add3A_48 = arith.constant 5120 : i32
      %add3A_49 = arith.addi %add3A_40, %add3A_48 : i32
      %dma_start3A_50 = tpu.memref_slice %arg5[%add3A_49] : memref<1638400xi32, #tpu.memory_space<hbm>> -> memref<2560xi32, #tpu.memory_space<hbm>>
      %dma_start3A_51 = tpu.memref_slice %arg5[%add3A_49] : memref<1638400xi32, #tpu.memory_space<hbm>> -> memref<2560xi32, #tpu.memory_space<hbm>>
      tpu.enqueue_dma source(%dma_start3A_51 : memref<2560xi32, #tpu.memory_space<hbm>>) target(%arg13 : memref<2560xi32, #tpu.memory_space<vmem>>) target_semaphore(%arg22 : memref<!tpu.dma_semaphore, #tpu.memory_space<semaphore_mem>>)
      %add3A_52 = arith.constant 7680 : i32
      %add3A_53 = arith.addi %add3A_40, %add3A_52 : i32
      %dma_start3A_54 = tpu.memref_slice %arg5[%add3A_53] : memref<1638400xi32, #tpu.memory_space<hbm>> -> memref<2560xi32, #tpu.memory_space<hbm>>
      %dma_start3A_55 = tpu.memref_slice %arg5[%add3A_53] : memref<1638400xi32, #tpu.memory_space<hbm>> -> memref<2560xi32, #tpu.memory_space<hbm>>
      tpu.enqueue_dma source(%dma_start3A_55 : memref<2560xi32, #tpu.memory_space<hbm>>) target(%arg14 : memref<2560xi32, #tpu.memory_space<vmem>>) target_semaphore(%arg23 : memref<!tpu.dma_semaphore, #tpu.memory_space<semaphore_mem>>)
      %dma_wait3A = tpu.memref_slice %arg5[%add3A_42] : memref<1638400xi32, #tpu.memory_space<hbm>> -> memref<2560xi32, #tpu.memory_space<hbm>>
      %dma_wait3A_56 = tpu.memref_slice %arg5[%add3A_42] : memref<1638400xi32, #tpu.memory_space<hbm>> -> memref<2560xi32, #tpu.memory_space<hbm>>
      tpu.wait_dma2 semaphore(%arg20 : memref<!tpu.dma_semaphore, #tpu.memory_space<semaphore_mem>>) src(%dma_wait3A_56 : memref<2560xi32, #tpu.memory_space<hbm>>) dst(%arg11 : memref<2560xi32, #tpu.memory_space<vmem>>)
      %dma_start3A_57 = arith.constant 0 : i32
      %dma_start3A_58 = arith.constant 0 : i32
      %dma_start3A_59 = tpu.memref_slice %arg19[%dma_start3A_57, %dma_start3A_58] : memref<50000x16xbf16, #tpu.memory_space<vmem_shared>> -> memref<50000x16xbf16, #tpu.memory_space<vmem_shared>>
      tpu.enqueue_indirect_dma source(%dma_start3A_59 : memref<50000x16xbf16, #tpu.memory_space<vmem_shared>>) target(%arg15 : memref<2560x16xbf16, #tpu.memory_space<vmem>>) offsets(%arg11 : memref<2560xi32, #tpu.memory_space<vmem>>) semaphore(%arg24 : memref<!tpu.dma_semaphore, #tpu.memory_space<semaphore_mem>>)
      %dma_wait3A_60 = tpu.memref_slice %arg5[%add3A_45] : memref<1638400xi32, #tpu.memory_space<hbm>> -> memref<2560xi32, #tpu.memory_space<hbm>>
      %dma_wait3A_61 = tpu.memref_slice %arg5[%add3A_45] : memref<1638400xi32, #tpu.memory_space<hbm>> -> memref<2560xi32, #tpu.memory_space<hbm>>
      tpu.wait_dma2 semaphore(%arg21 : memref<!tpu.dma_semaphore, #tpu.memory_space<semaphore_mem>>) src(%dma_wait3A_61 : memref<2560xi32, #tpu.memory_space<hbm>>) dst(%arg12 : memref<2560xi32, #tpu.memory_space<vmem>>)
      %dma_start3A_62 = arith.constant 0 : i32
      %dma_start3A_63 = arith.constant 0 : i32
      %dma_start3A_64 = tpu.memref_slice %arg19[%dma_start3A_62, %dma_start3A_63] : memref<50000x16xbf16, #tpu.memory_space<vmem_shared>> -> memref<50000x16xbf16, #tpu.memory_space<vmem_shared>>
      tpu.enqueue_indirect_dma source(%dma_start3A_64 : memref<50000x16xbf16, #tpu.memory_space<vmem_shared>>) target(%arg16 : memref<2560x16xbf16, #tpu.memory_space<vmem>>) offsets(%arg12 : memref<2560xi32, #tpu.memory_space<vmem>>) semaphore(%arg25 : memref<!tpu.dma_semaphore, #tpu.memory_space<semaphore_mem>>)
      %dma_wait3A_65 = tpu.memref_slice %arg5[%add3A_49] : memref<1638400xi32, #tpu.memory_space<hbm>> -> memref<2560xi32, #tpu.memory_space<hbm>>
      %dma_wait3A_66 = tpu.memref_slice %arg5[%add3A_49] : memref<1638400xi32, #tpu.memory_space<hbm>> -> memref<2560xi32, #tpu.memory_space<hbm>>
      tpu.wait_dma2 semaphore(%arg22 : memref<!tpu.dma_semaphore, #tpu.memory_space<semaphore_mem>>) src(%dma_wait3A_66 : memref<2560xi32, #tpu.memory_space<hbm>>) dst(%arg13 : memref<2560xi32, #tpu.memory_space<vmem>>)
      %dma_start3A_67 = arith.constant 0 : i32
      %dma_start3A_68 = arith.constant 0 : i32
      %dma_start3A_69 = tpu.memref_slice %arg19[%dma_start3A_67, %dma_start3A_68] : memref<50000x16xbf16, #tpu.memory_space<vmem_shared>> -> memref<50000x16xbf16, #tpu.memory_space<vmem_shared>>
      tpu.enqueue_indirect_dma source(%dma_start3A_69 : memref<50000x16xbf16, #tpu.memory_space<vmem_shared>>) target(%arg17 : memref<2560x16xbf16, #tpu.memory_space<vmem>>) offsets(%arg13 : memref<2560xi32, #tpu.memory_space<vmem>>) semaphore(%arg26 : memref<!tpu.dma_semaphore, #tpu.memory_space<semaphore_mem>>)
      %dma_wait3A_70 = tpu.memref_slice %arg5[%add3A_53] : memref<1638400xi32, #tpu.memory_space<hbm>> -> memref<2560xi32, #tpu.memory_space<hbm>>
      %dma_wait3A_71 = tpu.memref_slice %arg5[%add3A_53] : memref<1638400xi32, #tpu.memory_space<hbm>> -> memref<2560xi32, #tpu.memory_space<hbm>>
      tpu.wait_dma2 semaphore(%arg23 : memref<!tpu.dma_semaphore, #tpu.memory_space<semaphore_mem>>) src(%dma_wait3A_71 : memref<2560xi32, #tpu.memory_space<hbm>>) dst(%arg14 : memref<2560xi32, #tpu.memory_space<vmem>>)
      %dma_start3A_72 = arith.constant 0 : i32
      %dma_start3A_73 = arith.constant 0 : i32
      %dma_start3A_74 = tpu.memref_slice %arg19[%dma_start3A_72, %dma_start3A_73] : memref<50000x16xbf16, #tpu.memory_space<vmem_shared>> -> memref<50000x16xbf16, #tpu.memory_space<vmem_shared>>
      tpu.enqueue_indirect_dma source(%dma_start3A_74 : memref<50000x16xbf16, #tpu.memory_space<vmem_shared>>) target(%arg18 : memref<2560x16xbf16, #tpu.memory_space<vmem>>) offsets(%arg14 : memref<2560xi32, #tpu.memory_space<vmem>>) semaphore(%arg27 : memref<!tpu.dma_semaphore, #tpu.memory_space<semaphore_mem>>)
      %dma_wait3A_75 = arith.constant 0 : i32
      %dma_wait3A_76 = arith.constant 0 : i32
      %dma_wait3A_77 = tpu.memref_slice %arg19[%dma_wait3A_75, %dma_wait3A_76] : memref<50000x16xbf16, #tpu.memory_space<vmem_shared>> -> memref<50000x16xbf16, #tpu.memory_space<vmem_shared>>
      tpu.wait_indirect_dma semaphore(%arg24 : memref<!tpu.dma_semaphore, #tpu.memory_space<semaphore_mem>>) src(%dma_wait3A_77 : memref<50000x16xbf16, #tpu.memory_space<vmem_shared>>) dst(%arg15 : memref<2560x16xbf16, #tpu.memory_space<vmem>>)
      %add3A_78 = arith.constant 0 : i32
      %add3A_79 = arith.addi %add3A_40, %add3A_78 : i32
      %dma_start3A_80 = arith.constant 0 : i32
      %dma_start3A_81 = tpu.memref_slice %arg8[%add3A_79, %dma_start3A_80] : memref<1638400x16xbf16, #tpu.memory_space<hbm>> -> memref<2560x16xbf16, #tpu.memory_space<hbm>>
      %dma_start3A_82 = arith.constant 0 : i32
      %dma_start3A_83 = tpu.memref_slice %arg8[%add3A_79, %dma_start3A_82] : memref<1638400x16xbf16, #tpu.memory_space<hbm>> -> memref<2560x16xbf16, #tpu.memory_space<hbm>>
      tpu.enqueue_dma source(%arg15 : memref<2560x16xbf16, #tpu.memory_space<vmem>>) target(%dma_start3A_83 : memref<2560x16xbf16, #tpu.memory_space<hbm>>) target_semaphore(%arg28 : memref<!tpu.dma_semaphore, #tpu.memory_space<semaphore_mem>>)
      %dma_wait3A_84 = arith.constant 0 : i32
      %dma_wait3A_85 = arith.constant 0 : i32
      %dma_wait3A_86 = tpu.memref_slice %arg19[%dma_wait3A_84, %dma_wait3A_85] : memref<50000x16xbf16, #tpu.memory_space<vmem_shared>> -> memref<50000x16xbf16, #tpu.memory_space<vmem_shared>>
      tpu.wait_indirect_dma semaphore(%arg25 : memref<!tpu.dma_semaphore, #tpu.memory_space<semaphore_mem>>) src(%dma_wait3A_86 : memref<50000x16xbf16, #tpu.memory_space<vmem_shared>>) dst(%arg16 : memref<2560x16xbf16, #tpu.memory_space<vmem>>)
      %add3A_87 = arith.constant 2560 : i32
      %add3A_88 = arith.addi %add3A_40, %add3A_87 : i32
      %dma_start3A_89 = arith.constant 0 : i32
      %dma_start3A_90 = tpu.memref_slice %arg8[%add3A_88, %dma_start3A_89] : memref<1638400x16xbf16, #tpu.memory_space<hbm>> -> memref<2560x16xbf16, #tpu.memory_space<hbm>>
      %dma_start3A_91 = arith.constant 0 : i32
      %dma_start3A_92 = tpu.memref_slice %arg8[%add3A_88, %dma_start3A_91] : memref<1638400x16xbf16, #tpu.memory_space<hbm>> -> memref<2560x16xbf16, #tpu.memory_space<hbm>>
      tpu.enqueue_dma source(%arg16 : memref<2560x16xbf16, #tpu.memory_space<vmem>>) target(%dma_start3A_92 : memref<2560x16xbf16, #tpu.memory_space<hbm>>) target_semaphore(%arg29 : memref<!tpu.dma_semaphore, #tpu.memory_space<semaphore_mem>>)
      %dma_wait3A_93 = arith.constant 0 : i32
      %dma_wait3A_94 = arith.constant 0 : i32
      %dma_wait3A_95 = tpu.memref_slice %arg19[%dma_wait3A_93, %dma_wait3A_94] : memref<50000x16xbf16, #tpu.memory_space<vmem_shared>> -> memref<50000x16xbf16, #tpu.memory_space<vmem_shared>>
      tpu.wait_indirect_dma semaphore(%arg26 : memref<!tpu.dma_semaphore, #tpu.memory_space<semaphore_mem>>) src(%dma_wait3A_95 : memref<50000x16xbf16, #tpu.memory_space<vmem_shared>>) dst(%arg17 : memref<2560x16xbf16, #tpu.memory_space<vmem>>)
      %add3A_96 = arith.constant 5120 : i32
      %add3A_97 = arith.addi %add3A_40, %add3A_96 : i32
      %dma_start3A_98 = arith.constant 0 : i32
      %dma_start3A_99 = tpu.memref_slice %arg8[%add3A_97, %dma_start3A_98] : memref<1638400x16xbf16, #tpu.memory_space<hbm>> -> memref<2560x16xbf16, #tpu.memory_space<hbm>>
      %dma_start3A_100 = arith.constant 0 : i32
      %dma_start3A_101 = tpu.memref_slice %arg8[%add3A_97, %dma_start3A_100] : memref<1638400x16xbf16, #tpu.memory_space<hbm>> -> memref<2560x16xbf16, #tpu.memory_space<hbm>>
      tpu.enqueue_dma source(%arg17 : memref<2560x16xbf16, #tpu.memory_space<vmem>>) target(%dma_start3A_101 : memref<2560x16xbf16, #tpu.memory_space<hbm>>) target_semaphore(%arg30 : memref<!tpu.dma_semaphore, #tpu.memory_space<semaphore_mem>>)
      %dma_wait3A_102 = arith.constant 0 : i32
      %dma_wait3A_103 = arith.constant 0 : i32
      %dma_wait3A_104 = tpu.memref_slice %arg19[%dma_wait3A_102, %dma_wait3A_103] : memref<50000x16xbf16, #tpu.memory_space<vmem_shared>> -> memref<50000x16xbf16, #tpu.memory_space<vmem_shared>>
      tpu.wait_indirect_dma semaphore(%arg27 : memref<!tpu.dma_semaphore, #tpu.memory_space<semaphore_mem>>) src(%dma_wait3A_104 : memref<50000x16xbf16, #tpu.memory_space<vmem_shared>>) dst(%arg18 : memref<2560x16xbf16, #tpu.memory_space<vmem>>)
      %add3A_105 = arith.constant 7680 : i32
      %add3A_106 = arith.addi %add3A_40, %add3A_105 : i32
      %dma_start3A_107 = arith.constant 0 : i32
      %dma_start3A_108 = tpu.memref_slice %arg8[%add3A_106, %dma_start3A_107] : memref<1638400x16xbf16, #tpu.memory_space<hbm>> -> memref<2560x16xbf16, #tpu.memory_space<hbm>>
      %dma_start3A_109 = arith.constant 0 : i32
      %dma_start3A_110 = tpu.memref_slice %arg8[%add3A_106, %dma_start3A_109] : memref<1638400x16xbf16, #tpu.memory_space<hbm>> -> memref<2560x16xbf16, #tpu.memory_space<hbm>>
      tpu.enqueue_dma source(%arg18 : memref<2560x16xbf16, #tpu.memory_space<vmem>>) target(%dma_start3A_110 : memref<2560x16xbf16, #tpu.memory_space<hbm>>) target_semaphore(%arg31 : memref<!tpu.dma_semaphore, #tpu.memory_space<semaphore_mem>>)
      %dma_wait3A_111 = arith.constant 0 : i32
      %dma_wait3A_112 = tpu.memref_slice %arg8[%add3A_79, %dma_wait3A_111] : memref<1638400x16xbf16, #tpu.memory_space<hbm>> -> memref<2560x16xbf16, #tpu.memory_space<hbm>>
      %dma_wait3A_113 = arith.constant 0 : i32
      %dma_wait3A_114 = tpu.memref_slice %arg8[%add3A_79, %dma_wait3A_113] : memref<1638400x16xbf16, #tpu.memory_space<hbm>> -> memref<2560x16xbf16, #tpu.memory_space<hbm>>
      tpu.wait_dma2 semaphore(%arg28 : memref<!tpu.dma_semaphore, #tpu.memory_space<semaphore_mem>>) src(%arg15 : memref<2560x16xbf16, #tpu.memory_space<vmem>>) dst(%dma_wait3A_114 : memref<2560x16xbf16, #tpu.memory_space<hbm>>)
      %dma_wait3A_115 = arith.constant 0 : i32
      %dma_wait3A_116 = tpu.memref_slice %arg8[%add3A_88, %dma_wait3A_115] : memref<1638400x16xbf16, #tpu.memory_space<hbm>> -> memref<2560x16xbf16, #tpu.memory_space<hbm>>
      %dma_wait3A_117 = arith.constant 0 : i32
      %dma_wait3A_118 = tpu.memref_slice %arg8[%add3A_88, %dma_wait3A_117] : memref<1638400x16xbf16, #tpu.memory_space<hbm>> -> memref<2560x16xbf16, #tpu.memory_space<hbm>>
      tpu.wait_dma2 semaphore(%arg29 : memref<!tpu.dma_semaphore, #tpu.memory_space<semaphore_mem>>) src(%arg16 : memref<2560x16xbf16, #tpu.memory_space<vmem>>) dst(%dma_wait3A_118 : memref<2560x16xbf16, #tpu.memory_space<hbm>>)
      %dma_wait3A_119 = arith.constant 0 : i32
      %dma_wait3A_120 = tpu.memref_slice %arg8[%add3A_97, %dma_wait3A_119] : memref<1638400x16xbf16, #tpu.memory_space<hbm>> -> memref<2560x16xbf16, #tpu.memory_space<hbm>>
      %dma_wait3A_121 = arith.constant 0 : i32
      %dma_wait3A_122 = tpu.memref_slice %arg8[%add3A_97, %dma_wait3A_121] : memref<1638400x16xbf16, #tpu.memory_space<hbm>> -> memref<2560x16xbf16, #tpu.memory_space<hbm>>
      tpu.wait_dma2 semaphore(%arg30 : memref<!tpu.dma_semaphore, #tpu.memory_space<semaphore_mem>>) src(%arg17 : memref<2560x16xbf16, #tpu.memory_space<vmem>>) dst(%dma_wait3A_122 : memref<2560x16xbf16, #tpu.memory_space<hbm>>)
      %dma_wait3A_123 = arith.constant 0 : i32
      %dma_wait3A_124 = tpu.memref_slice %arg8[%add3A_106, %dma_wait3A_123] : memref<1638400x16xbf16, #tpu.memory_space<hbm>> -> memref<2560x16xbf16, #tpu.memory_space<hbm>>
      %dma_wait3A_125 = arith.constant 0 : i32
      %dma_wait3A_126 = tpu.memref_slice %arg8[%add3A_106, %dma_wait3A_125] : memref<1638400x16xbf16, #tpu.memory_space<hbm>> -> memref<2560x16xbf16, #tpu.memory_space<hbm>>
      tpu.wait_dma2 semaphore(%arg31 : memref<!tpu.dma_semaphore, #tpu.memory_space<semaphore_mem>>) src(%arg18 : memref<2560x16xbf16, #tpu.memory_space<vmem>>) dst(%dma_wait3A_126 : memref<2560x16xbf16, #tpu.memory_space<hbm>>)
    }
    %scan3A_11 = arith.constant 5 : i32
    %barrier3A_12 = arith.constant 0 : index
    tpu.barrier barrier_id(%barrier3A_12)
    %mul3A_13 = arith.constant 3125 : i32
    %mul3A_14 = arith.muli %arg1, %mul3A_13 : i32
    %mul3A_15 = arith.constant 3125 : i32
    %mul3A_16 = arith.muli %arg1, %mul3A_15 : i32
    "tpu.region"() ({
      %run_scoped3A = tpu.sem_alloc : memref<!tpu.dma_semaphore, #tpu.memory_space<semaphore_mem>>
      %dma_start3A = arith.constant 0 : i32
      %dma_start3A_37 = tpu.memref_slice %arg19[%mul3A_16, %dma_start3A] : memref<50000x16xbf16, #tpu.memory_space<vmem_shared>> -> memref<3125x16xbf16, #tpu.memory_space<vmem_shared>>
      %dma_start3A_38 = arith.constant 0 : i32
      %dma_start3A_39 = tpu.memref_slice %arg3[%mul3A_14, %dma_start3A_38] : memref<50000x16xbf16, #tpu.memory_space<hbm>> -> memref<3125x16xbf16, #tpu.memory_space<hbm>>
      tpu.enqueue_dma source(%dma_start3A_39 : memref<3125x16xbf16, #tpu.memory_space<hbm>>) target(%dma_start3A_37 : memref<3125x16xbf16, #tpu.memory_space<vmem_shared>>) target_semaphore(%run_scoped3A : memref<!tpu.dma_semaphore, #tpu.memory_space<semaphore_mem>>)
      %dma_wait3A = arith.constant 0 : i32
      %dma_wait3A_40 = tpu.memref_slice %arg19[%mul3A_16, %dma_wait3A] : memref<50000x16xbf16, #tpu.memory_space<vmem_shared>> -> memref<3125x16xbf16, #tpu.memory_space<vmem_shared>>
      %dma_wait3A_41 = arith.constant 0 : i32
      %dma_wait3A_42 = tpu.memref_slice %arg3[%mul3A_14, %dma_wait3A_41] : memref<50000x16xbf16, #tpu.memory_space<hbm>> -> memref<3125x16xbf16, #tpu.memory_space<hbm>>
      tpu.wait_dma2 semaphore(%run_scoped3A : memref<!tpu.dma_semaphore, #tpu.memory_space<semaphore_mem>>) src(%dma_wait3A_42 : memref<3125x16xbf16, #tpu.memory_space<hbm>>) dst(%dma_wait3A_40 : memref<3125x16xbf16, #tpu.memory_space<vmem_shared>>)
      tpu.yield
    }) : () -> ()
    %barrier3A_17 = arith.constant 0 : index
    tpu.barrier barrier_id(%barrier3A_17)
    %scan3A_18 = arith.constant 0 : i32
    %scan3A_19 = arith.constant 0 : i32
    %scan3A_20 = arith.constant 5 : i32
    %scan3A_21 = arith.addi %scan3A_19, %scan3A_20 : i32
    %scan3A_22 = arith.constant 1 : i32
    scf.for %scan3A_37 = %scan3A_19 to %scan3A_21 step %scan3A_22  : i32 {
      %mul3A_38 = arith.constant 10240 : i32
      %mul3A_39 = arith.muli %scan3A_37, %mul3A_38 : i32
      %add3A_40 = arith.addi %mul3A_2, %mul3A_39 : i32
      %add3A_41 = arith.constant 0 : i32
      %add3A_42 = arith.addi %add3A_40, %add3A_41 : i32
      %dma_start3A = tpu.memref_slice %arg6[%add3A_42] : memref<1638400xi32, #tpu.memory_space<hbm>> -> memref<2560xi32, #tpu.memory_space<hbm>>
      %dma_start3A_43 = tpu.memref_slice %arg6[%add3A_42] : memref<1638400xi32, #tpu.memory_space<hbm>> -> memref<2560xi32, #tpu.memory_space<hbm>>
      tpu.enqueue_dma source(%dma_start3A_43 : memref<2560xi32, #tpu.memory_space<hbm>>) target(%arg11 : memref<2560xi32, #tpu.memory_space<vmem>>) target_semaphore(%arg20 : memref<!tpu.dma_semaphore, #tpu.memory_space<semaphore_mem>>)
      %add3A_44 = arith.constant 2560 : i32
      %add3A_45 = arith.addi %add3A_40, %add3A_44 : i32
      %dma_start3A_46 = tpu.memref_slice %arg6[%add3A_45] : memref<1638400xi32, #tpu.memory_space<hbm>> -> memref<2560xi32, #tpu.memory_space<hbm>>
      %dma_start3A_47 = tpu.memref_slice %arg6[%add3A_45] : memref<1638400xi32, #tpu.memory_space<hbm>> -> memref<2560xi32, #tpu.memory_space<hbm>>
      tpu.enqueue_dma source(%dma_start3A_47 : memref<2560xi32, #tpu.memory_space<hbm>>) target(%arg12 : memref<2560xi32, #tpu.memory_space<vmem>>) target_semaphore(%arg21 : memref<!tpu.dma_semaphore, #tpu.memory_space<semaphore_mem>>)
      %add3A_48 = arith.constant 5120 : i32
      %add3A_49 = arith.addi %add3A_40, %add3A_48 : i32
      %dma_start3A_50 = tpu.memref_slice %arg6[%add3A_49] : memref<1638400xi32, #tpu.memory_space<hbm>> -> memref<2560xi32, #tpu.memory_space<hbm>>
      %dma_start3A_51 = tpu.memref_slice %arg6[%add3A_49] : memref<1638400xi32, #tpu.memory_space<hbm>> -> memref<2560xi32, #tpu.memory_space<hbm>>
      tpu.enqueue_dma source(%dma_start3A_51 : memref<2560xi32, #tpu.memory_space<hbm>>) target(%arg13 : memref<2560xi32, #tpu.memory_space<vmem>>) target_semaphore(%arg22 : memref<!tpu.dma_semaphore, #tpu.memory_space<semaphore_mem>>)
      %add3A_52 = arith.constant 7680 : i32
      %add3A_53 = arith.addi %add3A_40, %add3A_52 : i32
      %dma_start3A_54 = tpu.memref_slice %arg6[%add3A_53] : memref<1638400xi32, #tpu.memory_space<hbm>> -> memref<2560xi32, #tpu.memory_space<hbm>>
      %dma_start3A_55 = tpu.memref_slice %arg6[%add3A_53] : memref<1638400xi32, #tpu.memory_space<hbm>> -> memref<2560xi32, #tpu.memory_space<hbm>>
      tpu.enqueue_dma source(%dma_start3A_55 : memref<2560xi32, #tpu.memory_space<hbm>>) target(%arg14 : memref<2560xi32, #tpu.memory_space<vmem>>) target_semaphore(%arg23 : memref<!tpu.dma_semaphore, #tpu.memory_space<semaphore_mem>>)
      %dma_wait3A = tpu.memref_slice %arg6[%add3A_42] : memref<1638400xi32, #tpu.memory_space<hbm>> -> memref<2560xi32, #tpu.memory_space<hbm>>
      %dma_wait3A_56 = tpu.memref_slice %arg6[%add3A_42] : memref<1638400xi32, #tpu.memory_space<hbm>> -> memref<2560xi32, #tpu.memory_space<hbm>>
      tpu.wait_dma2 semaphore(%arg20 : memref<!tpu.dma_semaphore, #tpu.memory_space<semaphore_mem>>) src(%dma_wait3A_56 : memref<2560xi32, #tpu.memory_space<hbm>>) dst(%arg11 : memref<2560xi32, #tpu.memory_space<vmem>>)
      %dma_start3A_57 = arith.constant 0 : i32
      %dma_start3A_58 = arith.constant 0 : i32
      %dma_start3A_59 = tpu.memref_slice %arg19[%dma_start3A_57, %dma_start3A_58] : memref<50000x16xbf16, #tpu.memory_space<vmem_shared>> -> memref<50000x16xbf16, #tpu.memory_space<vmem_shared>>
      tpu.enqueue_indirect_dma source(%dma_start3A_59 : memref<50000x16xbf16, #tpu.memory_space<vmem_shared>>) target(%arg15 : memref<2560x16xbf16, #tpu.memory_space<vmem>>) offsets(%arg11 : memref<2560xi32, #tpu.memory_space<vmem>>) semaphore(%arg24 : memref<!tpu.dma_semaphore, #tpu.memory_space<semaphore_mem>>)
      %dma_wait3A_60 = tpu.memref_slice %arg6[%add3A_45] : memref<1638400xi32, #tpu.memory_space<hbm>> -> memref<2560xi32, #tpu.memory_space<hbm>>
      %dma_wait3A_61 = tpu.memref_slice %arg6[%add3A_45] : memref<1638400xi32, #tpu.memory_space<hbm>> -> memref<2560xi32, #tpu.memory_space<hbm>>
      tpu.wait_dma2 semaphore(%arg21 : memref<!tpu.dma_semaphore, #tpu.memory_space<semaphore_mem>>) src(%dma_wait3A_61 : memref<2560xi32, #tpu.memory_space<hbm>>) dst(%arg12 : memref<2560xi32, #tpu.memory_space<vmem>>)
      %dma_start3A_62 = arith.constant 0 : i32
      %dma_start3A_63 = arith.constant 0 : i32
      %dma_start3A_64 = tpu.memref_slice %arg19[%dma_start3A_62, %dma_start3A_63] : memref<50000x16xbf16, #tpu.memory_space<vmem_shared>> -> memref<50000x16xbf16, #tpu.memory_space<vmem_shared>>
      tpu.enqueue_indirect_dma source(%dma_start3A_64 : memref<50000x16xbf16, #tpu.memory_space<vmem_shared>>) target(%arg16 : memref<2560x16xbf16, #tpu.memory_space<vmem>>) offsets(%arg12 : memref<2560xi32, #tpu.memory_space<vmem>>) semaphore(%arg25 : memref<!tpu.dma_semaphore, #tpu.memory_space<semaphore_mem>>)
      %dma_wait3A_65 = tpu.memref_slice %arg6[%add3A_49] : memref<1638400xi32, #tpu.memory_space<hbm>> -> memref<2560xi32, #tpu.memory_space<hbm>>
      %dma_wait3A_66 = tpu.memref_slice %arg6[%add3A_49] : memref<1638400xi32, #tpu.memory_space<hbm>> -> memref<2560xi32, #tpu.memory_space<hbm>>
      tpu.wait_dma2 semaphore(%arg22 : memref<!tpu.dma_semaphore, #tpu.memory_space<semaphore_mem>>) src(%dma_wait3A_66 : memref<2560xi32, #tpu.memory_space<hbm>>) dst(%arg13 : memref<2560xi32, #tpu.memory_space<vmem>>)
      %dma_start3A_67 = arith.constant 0 : i32
      %dma_start3A_68 = arith.constant 0 : i32
      %dma_start3A_69 = tpu.memref_slice %arg19[%dma_start3A_67, %dma_start3A_68] : memref<50000x16xbf16, #tpu.memory_space<vmem_shared>> -> memref<50000x16xbf16, #tpu.memory_space<vmem_shared>>
      tpu.enqueue_indirect_dma source(%dma_start3A_69 : memref<50000x16xbf16, #tpu.memory_space<vmem_shared>>) target(%arg17 : memref<2560x16xbf16, #tpu.memory_space<vmem>>) offsets(%arg13 : memref<2560xi32, #tpu.memory_space<vmem>>) semaphore(%arg26 : memref<!tpu.dma_semaphore, #tpu.memory_space<semaphore_mem>>)
      %dma_wait3A_70 = tpu.memref_slice %arg6[%add3A_53] : memref<1638400xi32, #tpu.memory_space<hbm>> -> memref<2560xi32, #tpu.memory_space<hbm>>
      %dma_wait3A_71 = tpu.memref_slice %arg6[%add3A_53] : memref<1638400xi32, #tpu.memory_space<hbm>> -> memref<2560xi32, #tpu.memory_space<hbm>>
      tpu.wait_dma2 semaphore(%arg23 : memref<!tpu.dma_semaphore, #tpu.memory_space<semaphore_mem>>) src(%dma_wait3A_71 : memref<2560xi32, #tpu.memory_space<hbm>>) dst(%arg14 : memref<2560xi32, #tpu.memory_space<vmem>>)
      %dma_start3A_72 = arith.constant 0 : i32
      %dma_start3A_73 = arith.constant 0 : i32
      %dma_start3A_74 = tpu.memref_slice %arg19[%dma_start3A_72, %dma_start3A_73] : memref<50000x16xbf16, #tpu.memory_space<vmem_shared>> -> memref<50000x16xbf16, #tpu.memory_space<vmem_shared>>
      tpu.enqueue_indirect_dma source(%dma_start3A_74 : memref<50000x16xbf16, #tpu.memory_space<vmem_shared>>) target(%arg18 : memref<2560x16xbf16, #tpu.memory_space<vmem>>) offsets(%arg14 : memref<2560xi32, #tpu.memory_space<vmem>>) semaphore(%arg27 : memref<!tpu.dma_semaphore, #tpu.memory_space<semaphore_mem>>)
      %dma_wait3A_75 = arith.constant 0 : i32
      %dma_wait3A_76 = arith.constant 0 : i32
      %dma_wait3A_77 = tpu.memref_slice %arg19[%dma_wait3A_75, %dma_wait3A_76] : memref<50000x16xbf16, #tpu.memory_space<vmem_shared>> -> memref<50000x16xbf16, #tpu.memory_space<vmem_shared>>
      tpu.wait_indirect_dma semaphore(%arg24 : memref<!tpu.dma_semaphore, #tpu.memory_space<semaphore_mem>>) src(%dma_wait3A_77 : memref<50000x16xbf16, #tpu.memory_space<vmem_shared>>) dst(%arg15 : memref<2560x16xbf16, #tpu.memory_space<vmem>>)
      %add3A_78 = arith.constant 0 : i32
      %add3A_79 = arith.addi %add3A_40, %add3A_78 : i32
      %dma_start3A_80 = arith.constant 0 : i32
      %dma_start3A_81 = tpu.memref_slice %arg9[%add3A_79, %dma_start3A_80] : memref<1638400x16xbf16, #tpu.memory_space<hbm>> -> memref<2560x16xbf16, #tpu.memory_space<hbm>>
      %dma_start3A_82 = arith.constant 0 : i32
      %dma_start3A_83 = tpu.memref_slice %arg9[%add3A_79, %dma_start3A_82] : memref<1638400x16xbf16, #tpu.memory_space<hbm>> -> memref<2560x16xbf16, #tpu.memory_space<hbm>>
      tpu.enqueue_dma source(%arg15 : memref<2560x16xbf16, #tpu.memory_space<vmem>>) target(%dma_start3A_83 : memref<2560x16xbf16, #tpu.memory_space<hbm>>) target_semaphore(%arg28 : memref<!tpu.dma_semaphore, #tpu.memory_space<semaphore_mem>>)
      %dma_wait3A_84 = arith.constant 0 : i32
      %dma_wait3A_85 = arith.constant 0 : i32
      %dma_wait3A_86 = tpu.memref_slice %arg19[%dma_wait3A_84, %dma_wait3A_85] : memref<50000x16xbf16, #tpu.memory_space<vmem_shared>> -> memref<50000x16xbf16, #tpu.memory_space<vmem_shared>>
      tpu.wait_indirect_dma semaphore(%arg25 : memref<!tpu.dma_semaphore, #tpu.memory_space<semaphore_mem>>) src(%dma_wait3A_86 : memref<50000x16xbf16, #tpu.memory_space<vmem_shared>>) dst(%arg16 : memref<2560x16xbf16, #tpu.memory_space<vmem>>)
      %add3A_87 = arith.constant 2560 : i32
      %add3A_88 = arith.addi %add3A_40, %add3A_87 : i32
      %dma_start3A_89 = arith.constant 0 : i32
      %dma_start3A_90 = tpu.memref_slice %arg9[%add3A_88, %dma_start3A_89] : memref<1638400x16xbf16, #tpu.memory_space<hbm>> -> memref<2560x16xbf16, #tpu.memory_space<hbm>>
      %dma_start3A_91 = arith.constant 0 : i32
      %dma_start3A_92 = tpu.memref_slice %arg9[%add3A_88, %dma_start3A_91] : memref<1638400x16xbf16, #tpu.memory_space<hbm>> -> memref<2560x16xbf16, #tpu.memory_space<hbm>>
      tpu.enqueue_dma source(%arg16 : memref<2560x16xbf16, #tpu.memory_space<vmem>>) target(%dma_start3A_92 : memref<2560x16xbf16, #tpu.memory_space<hbm>>) target_semaphore(%arg29 : memref<!tpu.dma_semaphore, #tpu.memory_space<semaphore_mem>>)
      %dma_wait3A_93 = arith.constant 0 : i32
      %dma_wait3A_94 = arith.constant 0 : i32
      %dma_wait3A_95 = tpu.memref_slice %arg19[%dma_wait3A_93, %dma_wait3A_94] : memref<50000x16xbf16, #tpu.memory_space<vmem_shared>> -> memref<50000x16xbf16, #tpu.memory_space<vmem_shared>>
      tpu.wait_indirect_dma semaphore(%arg26 : memref<!tpu.dma_semaphore, #tpu.memory_space<semaphore_mem>>) src(%dma_wait3A_95 : memref<50000x16xbf16, #tpu.memory_space<vmem_shared>>) dst(%arg17 : memref<2560x16xbf16, #tpu.memory_space<vmem>>)
      %add3A_96 = arith.constant 5120 : i32
      %add3A_97 = arith.addi %add3A_40, %add3A_96 : i32
      %dma_start3A_98 = arith.constant 0 : i32
      %dma_start3A_99 = tpu.memref_slice %arg9[%add3A_97, %dma_start3A_98] : memref<1638400x16xbf16, #tpu.memory_space<hbm>> -> memref<2560x16xbf16, #tpu.memory_space<hbm>>
      %dma_start3A_100 = arith.constant 0 : i32
      %dma_start3A_101 = tpu.memref_slice %arg9[%add3A_97, %dma_start3A_100] : memref<1638400x16xbf16, #tpu.memory_space<hbm>> -> memref<2560x16xbf16, #tpu.memory_space<hbm>>
      tpu.enqueue_dma source(%arg17 : memref<2560x16xbf16, #tpu.memory_space<vmem>>) target(%dma_start3A_101 : memref<2560x16xbf16, #tpu.memory_space<hbm>>) target_semaphore(%arg30 : memref<!tpu.dma_semaphore, #tpu.memory_space<semaphore_mem>>)
      %dma_wait3A_102 = arith.constant 0 : i32
      %dma_wait3A_103 = arith.constant 0 : i32
      %dma_wait3A_104 = tpu.memref_slice %arg19[%dma_wait3A_102, %dma_wait3A_103] : memref<50000x16xbf16, #tpu.memory_space<vmem_shared>> -> memref<50000x16xbf16, #tpu.memory_space<vmem_shared>>
      tpu.wait_indirect_dma semaphore(%arg27 : memref<!tpu.dma_semaphore, #tpu.memory_space<semaphore_mem>>) src(%dma_wait3A_104 : memref<50000x16xbf16, #tpu.memory_space<vmem_shared>>) dst(%arg18 : memref<2560x16xbf16, #tpu.memory_space<vmem>>)
      %add3A_105 = arith.constant 7680 : i32
      %add3A_106 = arith.addi %add3A_40, %add3A_105 : i32
      %dma_start3A_107 = arith.constant 0 : i32
      %dma_start3A_108 = tpu.memref_slice %arg9[%add3A_106, %dma_start3A_107] : memref<1638400x16xbf16, #tpu.memory_space<hbm>> -> memref<2560x16xbf16, #tpu.memory_space<hbm>>
      %dma_start3A_109 = arith.constant 0 : i32
      %dma_start3A_110 = tpu.memref_slice %arg9[%add3A_106, %dma_start3A_109] : memref<1638400x16xbf16, #tpu.memory_space<hbm>> -> memref<2560x16xbf16, #tpu.memory_space<hbm>>
      tpu.enqueue_dma source(%arg18 : memref<2560x16xbf16, #tpu.memory_space<vmem>>) target(%dma_start3A_110 : memref<2560x16xbf16, #tpu.memory_space<hbm>>) target_semaphore(%arg31 : memref<!tpu.dma_semaphore, #tpu.memory_space<semaphore_mem>>)
      %dma_wait3A_111 = arith.constant 0 : i32
      %dma_wait3A_112 = tpu.memref_slice %arg9[%add3A_79, %dma_wait3A_111] : memref<1638400x16xbf16, #tpu.memory_space<hbm>> -> memref<2560x16xbf16, #tpu.memory_space<hbm>>
      %dma_wait3A_113 = arith.constant 0 : i32
      %dma_wait3A_114 = tpu.memref_slice %arg9[%add3A_79, %dma_wait3A_113] : memref<1638400x16xbf16, #tpu.memory_space<hbm>> -> memref<2560x16xbf16, #tpu.memory_space<hbm>>
      tpu.wait_dma2 semaphore(%arg28 : memref<!tpu.dma_semaphore, #tpu.memory_space<semaphore_mem>>) src(%arg15 : memref<2560x16xbf16, #tpu.memory_space<vmem>>) dst(%dma_wait3A_114 : memref<2560x16xbf16, #tpu.memory_space<hbm>>)
      %dma_wait3A_115 = arith.constant 0 : i32
      %dma_wait3A_116 = tpu.memref_slice %arg9[%add3A_88, %dma_wait3A_115] : memref<1638400x16xbf16, #tpu.memory_space<hbm>> -> memref<2560x16xbf16, #tpu.memory_space<hbm>>
      %dma_wait3A_117 = arith.constant 0 : i32
      %dma_wait3A_118 = tpu.memref_slice %arg9[%add3A_88, %dma_wait3A_117] : memref<1638400x16xbf16, #tpu.memory_space<hbm>> -> memref<2560x16xbf16, #tpu.memory_space<hbm>>
      tpu.wait_dma2 semaphore(%arg29 : memref<!tpu.dma_semaphore, #tpu.memory_space<semaphore_mem>>) src(%arg16 : memref<2560x16xbf16, #tpu.memory_space<vmem>>) dst(%dma_wait3A_118 : memref<2560x16xbf16, #tpu.memory_space<hbm>>)
      %dma_wait3A_119 = arith.constant 0 : i32
      %dma_wait3A_120 = tpu.memref_slice %arg9[%add3A_97, %dma_wait3A_119] : memref<1638400x16xbf16, #tpu.memory_space<hbm>> -> memref<2560x16xbf16, #tpu.memory_space<hbm>>
      %dma_wait3A_121 = arith.constant 0 : i32
      %dma_wait3A_122 = tpu.memref_slice %arg9[%add3A_97, %dma_wait3A_121] : memref<1638400x16xbf16, #tpu.memory_space<hbm>> -> memref<2560x16xbf16, #tpu.memory_space<hbm>>
      tpu.wait_dma2 semaphore(%arg30 : memref<!tpu.dma_semaphore, #tpu.memory_space<semaphore_mem>>) src(%arg17 : memref<2560x16xbf16, #tpu.memory_space<vmem>>) dst(%dma_wait3A_122 : memref<2560x16xbf16, #tpu.memory_space<hbm>>)
      %dma_wait3A_123 = arith.constant 0 : i32
      %dma_wait3A_124 = tpu.memref_slice %arg9[%add3A_106, %dma_wait3A_123] : memref<1638400x16xbf16, #tpu.memory_space<hbm>> -> memref<2560x16xbf16, #tpu.memory_space<hbm>>
      %dma_wait3A_125 = arith.constant 0 : i32
      %dma_wait3A_126 = tpu.memref_slice %arg9[%add3A_106, %dma_wait3A_125] : memref<1638400x16xbf16, #tpu.memory_space<hbm>> -> memref<2560x16xbf16, #tpu.memory_space<hbm>>
      tpu.wait_dma2 semaphore(%arg31 : memref<!tpu.dma_semaphore, #tpu.memory_space<semaphore_mem>>) src(%arg18 : memref<2560x16xbf16, #tpu.memory_space<vmem>>) dst(%dma_wait3A_126 : memref<2560x16xbf16, #tpu.memory_space<hbm>>)
    }
    %scan3A_23 = arith.constant 5 : i32
    %barrier3A_24 = arith.constant 0 : index
    tpu.barrier barrier_id(%barrier3A_24)
    %mul3A_25 = arith.constant 3125 : i32
    %mul3A_26 = arith.muli %arg1, %mul3A_25 : i32
    %mul3A_27 = arith.constant 3125 : i32
    %mul3A_28 = arith.muli %arg1, %mul3A_27 : i32
    "tpu.region"() ({
      %run_scoped3A = tpu.sem_alloc : memref<!tpu.dma_semaphore, #tpu.memory_space<semaphore_mem>>
      %dma_start3A = arith.constant 0 : i32
      %dma_start3A_37 = tpu.memref_slice %arg19[%mul3A_28, %dma_start3A] : memref<50000x16xbf16, #tpu.memory_space<vmem_shared>> -> memref<3125x16xbf16, #tpu.memory_space<vmem_shared>>
      %dma_start3A_38 = arith.constant 0 : i32
      %dma_start3A_39 = tpu.memref_slice %arg4[%mul3A_26, %dma_start3A_38] : memref<50000x16xbf16, #tpu.memory_space<hbm>> -> memref<3125x16xbf16, #tpu.memory_space<hbm>>
      tpu.enqueue_dma source(%dma_start3A_39 : memref<3125x16xbf16, #tpu.memory_space<hbm>>) target(%dma_start3A_37 : memref<3125x16xbf16, #tpu.memory_space<vmem_shared>>) target_semaphore(%run_scoped3A : memref<!tpu.dma_semaphore, #tpu.memory_space<semaphore_mem>>)
      %dma_wait3A = arith.constant 0 : i32
      %dma_wait3A_40 = tpu.memref_slice %arg19[%mul3A_28, %dma_wait3A] : memref<50000x16xbf16, #tpu.memory_space<vmem_shared>> -> memref<3125x16xbf16, #tpu.memory_space<vmem_shared>>
      %dma_wait3A_41 = arith.constant 0 : i32
      %dma_wait3A_42 = tpu.memref_slice %arg4[%mul3A_26, %dma_wait3A_41] : memref<50000x16xbf16, #tpu.memory_space<hbm>> -> memref<3125x16xbf16, #tpu.memory_space<hbm>>
      tpu.wait_dma2 semaphore(%run_scoped3A : memref<!tpu.dma_semaphore, #tpu.memory_space<semaphore_mem>>) src(%dma_wait3A_42 : memref<3125x16xbf16, #tpu.memory_space<hbm>>) dst(%dma_wait3A_40 : memref<3125x16xbf16, #tpu.memory_space<vmem_shared>>)
      tpu.yield
    }) : () -> ()
    %barrier3A_29 = arith.constant 0 : index
    tpu.barrier barrier_id(%barrier3A_29)
    %scan3A_30 = arith.constant 0 : i32
    %scan3A_31 = arith.constant 0 : i32
    %scan3A_32 = arith.constant 5 : i32
    %scan3A_33 = arith.addi %scan3A_31, %scan3A_32 : i32
    %scan3A_34 = arith.constant 1 : i32
    scf.for %scan3A_37 = %scan3A_31 to %scan3A_33 step %scan3A_34  : i32 {
      %mul3A_38 = arith.constant 10240 : i32
      %mul3A_39 = arith.muli %scan3A_37, %mul3A_38 : i32
      %add3A_40 = arith.addi %mul3A_2, %mul3A_39 : i32
      %add3A_41 = arith.constant 0 : i32
      %add3A_42 = arith.addi %add3A_40, %add3A_41 : i32
      %dma_start3A = tpu.memref_slice %arg7[%add3A_42] : memref<1638400xi32, #tpu.memory_space<hbm>> -> memref<2560xi32, #tpu.memory_space<hbm>>
      %dma_start3A_43 = tpu.memref_slice %arg7[%add3A_42] : memref<1638400xi32, #tpu.memory_space<hbm>> -> memref<2560xi32, #tpu.memory_space<hbm>>
      tpu.enqueue_dma source(%dma_start3A_43 : memref<2560xi32, #tpu.memory_space<hbm>>) target(%arg11 : memref<2560xi32, #tpu.memory_space<vmem>>) target_semaphore(%arg20 : memref<!tpu.dma_semaphore, #tpu.memory_space<semaphore_mem>>)
      %add3A_44 = arith.constant 2560 : i32
      %add3A_45 = arith.addi %add3A_40, %add3A_44 : i32
      %dma_start3A_46 = tpu.memref_slice %arg7[%add3A_45] : memref<1638400xi32, #tpu.memory_space<hbm>> -> memref<2560xi32, #tpu.memory_space<hbm>>
      %dma_start3A_47 = tpu.memref_slice %arg7[%add3A_45] : memref<1638400xi32, #tpu.memory_space<hbm>> -> memref<2560xi32, #tpu.memory_space<hbm>>
      tpu.enqueue_dma source(%dma_start3A_47 : memref<2560xi32, #tpu.memory_space<hbm>>) target(%arg12 : memref<2560xi32, #tpu.memory_space<vmem>>) target_semaphore(%arg21 : memref<!tpu.dma_semaphore, #tpu.memory_space<semaphore_mem>>)
      %add3A_48 = arith.constant 5120 : i32
      %add3A_49 = arith.addi %add3A_40, %add3A_48 : i32
      %dma_start3A_50 = tpu.memref_slice %arg7[%add3A_49] : memref<1638400xi32, #tpu.memory_space<hbm>> -> memref<2560xi32, #tpu.memory_space<hbm>>
      %dma_start3A_51 = tpu.memref_slice %arg7[%add3A_49] : memref<1638400xi32, #tpu.memory_space<hbm>> -> memref<2560xi32, #tpu.memory_space<hbm>>
      tpu.enqueue_dma source(%dma_start3A_51 : memref<2560xi32, #tpu.memory_space<hbm>>) target(%arg13 : memref<2560xi32, #tpu.memory_space<vmem>>) target_semaphore(%arg22 : memref<!tpu.dma_semaphore, #tpu.memory_space<semaphore_mem>>)
      %add3A_52 = arith.constant 7680 : i32
      %add3A_53 = arith.addi %add3A_40, %add3A_52 : i32
      %dma_start3A_54 = tpu.memref_slice %arg7[%add3A_53] : memref<1638400xi32, #tpu.memory_space<hbm>> -> memref<2560xi32, #tpu.memory_space<hbm>>
      %dma_start3A_55 = tpu.memref_slice %arg7[%add3A_53] : memref<1638400xi32, #tpu.memory_space<hbm>> -> memref<2560xi32, #tpu.memory_space<hbm>>
      tpu.enqueue_dma source(%dma_start3A_55 : memref<2560xi32, #tpu.memory_space<hbm>>) target(%arg14 : memref<2560xi32, #tpu.memory_space<vmem>>) target_semaphore(%arg23 : memref<!tpu.dma_semaphore, #tpu.memory_space<semaphore_mem>>)
      %dma_wait3A = tpu.memref_slice %arg7[%add3A_42] : memref<1638400xi32, #tpu.memory_space<hbm>> -> memref<2560xi32, #tpu.memory_space<hbm>>
      %dma_wait3A_56 = tpu.memref_slice %arg7[%add3A_42] : memref<1638400xi32, #tpu.memory_space<hbm>> -> memref<2560xi32, #tpu.memory_space<hbm>>
      tpu.wait_dma2 semaphore(%arg20 : memref<!tpu.dma_semaphore, #tpu.memory_space<semaphore_mem>>) src(%dma_wait3A_56 : memref<2560xi32, #tpu.memory_space<hbm>>) dst(%arg11 : memref<2560xi32, #tpu.memory_space<vmem>>)
      %dma_start3A_57 = arith.constant 0 : i32
      %dma_start3A_58 = arith.constant 0 : i32
      %dma_start3A_59 = tpu.memref_slice %arg19[%dma_start3A_57, %dma_start3A_58] : memref<50000x16xbf16, #tpu.memory_space<vmem_shared>> -> memref<50000x16xbf16, #tpu.memory_space<vmem_shared>>
      tpu.enqueue_indirect_dma source(%dma_start3A_59 : memref<50000x16xbf16, #tpu.memory_space<vmem_shared>>) target(%arg15 : memref<2560x16xbf16, #tpu.memory_space<vmem>>) offsets(%arg11 : memref<2560xi32, #tpu.memory_space<vmem>>) semaphore(%arg24 : memref<!tpu.dma_semaphore, #tpu.memory_space<semaphore_mem>>)
      %dma_wait3A_60 = tpu.memref_slice %arg7[%add3A_45] : memref<1638400xi32, #tpu.memory_space<hbm>> -> memref<2560xi32, #tpu.memory_space<hbm>>
      %dma_wait3A_61 = tpu.memref_slice %arg7[%add3A_45] : memref<1638400xi32, #tpu.memory_space<hbm>> -> memref<2560xi32, #tpu.memory_space<hbm>>
      tpu.wait_dma2 semaphore(%arg21 : memref<!tpu.dma_semaphore, #tpu.memory_space<semaphore_mem>>) src(%dma_wait3A_61 : memref<2560xi32, #tpu.memory_space<hbm>>) dst(%arg12 : memref<2560xi32, #tpu.memory_space<vmem>>)
      %dma_start3A_62 = arith.constant 0 : i32
      %dma_start3A_63 = arith.constant 0 : i32
      %dma_start3A_64 = tpu.memref_slice %arg19[%dma_start3A_62, %dma_start3A_63] : memref<50000x16xbf16, #tpu.memory_space<vmem_shared>> -> memref<50000x16xbf16, #tpu.memory_space<vmem_shared>>
      tpu.enqueue_indirect_dma source(%dma_start3A_64 : memref<50000x16xbf16, #tpu.memory_space<vmem_shared>>) target(%arg16 : memref<2560x16xbf16, #tpu.memory_space<vmem>>) offsets(%arg12 : memref<2560xi32, #tpu.memory_space<vmem>>) semaphore(%arg25 : memref<!tpu.dma_semaphore, #tpu.memory_space<semaphore_mem>>)
      %dma_wait3A_65 = tpu.memref_slice %arg7[%add3A_49] : memref<1638400xi32, #tpu.memory_space<hbm>> -> memref<2560xi32, #tpu.memory_space<hbm>>
      %dma_wait3A_66 = tpu.memref_slice %arg7[%add3A_49] : memref<1638400xi32, #tpu.memory_space<hbm>> -> memref<2560xi32, #tpu.memory_space<hbm>>
      tpu.wait_dma2 semaphore(%arg22 : memref<!tpu.dma_semaphore, #tpu.memory_space<semaphore_mem>>) src(%dma_wait3A_66 : memref<2560xi32, #tpu.memory_space<hbm>>) dst(%arg13 : memref<2560xi32, #tpu.memory_space<vmem>>)
      %dma_start3A_67 = arith.constant 0 : i32
      %dma_start3A_68 = arith.constant 0 : i32
      %dma_start3A_69 = tpu.memref_slice %arg19[%dma_start3A_67, %dma_start3A_68] : memref<50000x16xbf16, #tpu.memory_space<vmem_shared>> -> memref<50000x16xbf16, #tpu.memory_space<vmem_shared>>
      tpu.enqueue_indirect_dma source(%dma_start3A_69 : memref<50000x16xbf16, #tpu.memory_space<vmem_shared>>) target(%arg17 : memref<2560x16xbf16, #tpu.memory_space<vmem>>) offsets(%arg13 : memref<2560xi32, #tpu.memory_space<vmem>>) semaphore(%arg26 : memref<!tpu.dma_semaphore, #tpu.memory_space<semaphore_mem>>)
      %dma_wait3A_70 = tpu.memref_slice %arg7[%add3A_53] : memref<1638400xi32, #tpu.memory_space<hbm>> -> memref<2560xi32, #tpu.memory_space<hbm>>
      %dma_wait3A_71 = tpu.memref_slice %arg7[%add3A_53] : memref<1638400xi32, #tpu.memory_space<hbm>> -> memref<2560xi32, #tpu.memory_space<hbm>>
      tpu.wait_dma2 semaphore(%arg23 : memref<!tpu.dma_semaphore, #tpu.memory_space<semaphore_mem>>) src(%dma_wait3A_71 : memref<2560xi32, #tpu.memory_space<hbm>>) dst(%arg14 : memref<2560xi32, #tpu.memory_space<vmem>>)
      %dma_start3A_72 = arith.constant 0 : i32
      %dma_start3A_73 = arith.constant 0 : i32
      %dma_start3A_74 = tpu.memref_slice %arg19[%dma_start3A_72, %dma_start3A_73] : memref<50000x16xbf16, #tpu.memory_space<vmem_shared>> -> memref<50000x16xbf16, #tpu.memory_space<vmem_shared>>
      tpu.enqueue_indirect_dma source(%dma_start3A_74 : memref<50000x16xbf16, #tpu.memory_space<vmem_shared>>) target(%arg18 : memref<2560x16xbf16, #tpu.memory_space<vmem>>) offsets(%arg14 : memref<2560xi32, #tpu.memory_space<vmem>>) semaphore(%arg27 : memref<!tpu.dma_semaphore, #tpu.memory_space<semaphore_mem>>)
      %dma_wait3A_75 = arith.constant 0 : i32
      %dma_wait3A_76 = arith.constant 0 : i32
      %dma_wait3A_77 = tpu.memref_slice %arg19[%dma_wait3A_75, %dma_wait3A_76] : memref<50000x16xbf16, #tpu.memory_space<vmem_shared>> -> memref<50000x16xbf16, #tpu.memory_space<vmem_shared>>
      tpu.wait_indirect_dma semaphore(%arg24 : memref<!tpu.dma_semaphore, #tpu.memory_space<semaphore_mem>>) src(%dma_wait3A_77 : memref<50000x16xbf16, #tpu.memory_space<vmem_shared>>) dst(%arg15 : memref<2560x16xbf16, #tpu.memory_space<vmem>>)
      %add3A_78 = arith.constant 0 : i32
      %add3A_79 = arith.addi %add3A_40, %add3A_78 : i32
      %dma_start3A_80 = arith.constant 0 : i32
      %dma_start3A_81 = tpu.memref_slice %arg10[%add3A_79, %dma_start3A_80] : memref<1638400x16xbf16, #tpu.memory_space<hbm>> -> memref<2560x16xbf16, #tpu.memory_space<hbm>>
      %dma_start3A_82 = arith.constant 0 : i32
      %dma_start3A_83 = tpu.memref_slice %arg10[%add3A_79, %dma_start3A_82] : memref<1638400x16xbf16, #tpu.memory_space<hbm>> -> memref<2560x16xbf16, #tpu.memory_space<hbm>>
      tpu.enqueue_dma source(%arg15 : memref<2560x16xbf16, #tpu.memory_space<vmem>>) target(%dma_start3A_83 : memref<2560x16xbf16, #tpu.memory_space<hbm>>) target_semaphore(%arg28 : memref<!tpu.dma_semaphore, #tpu.memory_space<semaphore_mem>>)
      %dma_wait3A_84 = arith.constant 0 : i32
      %dma_wait3A_85 = arith.constant 0 : i32
      %dma_wait3A_86 = tpu.memref_slice %arg19[%dma_wait3A_84, %dma_wait3A_85] : memref<50000x16xbf16, #tpu.memory_space<vmem_shared>> -> memref<50000x16xbf16, #tpu.memory_space<vmem_shared>>
      tpu.wait_indirect_dma semaphore(%arg25 : memref<!tpu.dma_semaphore, #tpu.memory_space<semaphore_mem>>) src(%dma_wait3A_86 : memref<50000x16xbf16, #tpu.memory_space<vmem_shared>>) dst(%arg16 : memref<2560x16xbf16, #tpu.memory_space<vmem>>)
      %add3A_87 = arith.constant 2560 : i32
      %add3A_88 = arith.addi %add3A_40, %add3A_87 : i32
      %dma_start3A_89 = arith.constant 0 : i32
      %dma_start3A_90 = tpu.memref_slice %arg10[%add3A_88, %dma_start3A_89] : memref<1638400x16xbf16, #tpu.memory_space<hbm>> -> memref<2560x16xbf16, #tpu.memory_space<hbm>>
      %dma_start3A_91 = arith.constant 0 : i32
      %dma_start3A_92 = tpu.memref_slice %arg10[%add3A_88, %dma_start3A_91] : memref<1638400x16xbf16, #tpu.memory_space<hbm>> -> memref<2560x16xbf16, #tpu.memory_space<hbm>>
      tpu.enqueue_dma source(%arg16 : memref<2560x16xbf16, #tpu.memory_space<vmem>>) target(%dma_start3A_92 : memref<2560x16xbf16, #tpu.memory_space<hbm>>) target_semaphore(%arg29 : memref<!tpu.dma_semaphore, #tpu.memory_space<semaphore_mem>>)
      %dma_wait3A_93 = arith.constant 0 : i32
      %dma_wait3A_94 = arith.constant 0 : i32
      %dma_wait3A_95 = tpu.memref_slice %arg19[%dma_wait3A_93, %dma_wait3A_94] : memref<50000x16xbf16, #tpu.memory_space<vmem_shared>> -> memref<50000x16xbf16, #tpu.memory_space<vmem_shared>>
      tpu.wait_indirect_dma semaphore(%arg26 : memref<!tpu.dma_semaphore, #tpu.memory_space<semaphore_mem>>) src(%dma_wait3A_95 : memref<50000x16xbf16, #tpu.memory_space<vmem_shared>>) dst(%arg17 : memref<2560x16xbf16, #tpu.memory_space<vmem>>)
      %add3A_96 = arith.constant 5120 : i32
      %add3A_97 = arith.addi %add3A_40, %add3A_96 : i32
      %dma_start3A_98 = arith.constant 0 : i32
      %dma_start3A_99 = tpu.memref_slice %arg10[%add3A_97, %dma_start3A_98] : memref<1638400x16xbf16, #tpu.memory_space<hbm>> -> memref<2560x16xbf16, #tpu.memory_space<hbm>>
      %dma_start3A_100 = arith.constant 0 : i32
      %dma_start3A_101 = tpu.memref_slice %arg10[%add3A_97, %dma_start3A_100] : memref<1638400x16xbf16, #tpu.memory_space<hbm>> -> memref<2560x16xbf16, #tpu.memory_space<hbm>>
      tpu.enqueue_dma source(%arg17 : memref<2560x16xbf16, #tpu.memory_space<vmem>>) target(%dma_start3A_101 : memref<2560x16xbf16, #tpu.memory_space<hbm>>) target_semaphore(%arg30 : memref<!tpu.dma_semaphore, #tpu.memory_space<semaphore_mem>>)
      %dma_wait3A_102 = arith.constant 0 : i32
      %dma_wait3A_103 = arith.constant 0 : i32
      %dma_wait3A_104 = tpu.memref_slice %arg19[%dma_wait3A_102, %dma_wait3A_103] : memref<50000x16xbf16, #tpu.memory_space<vmem_shared>> -> memref<50000x16xbf16, #tpu.memory_space<vmem_shared>>
      tpu.wait_indirect_dma semaphore(%arg27 : memref<!tpu.dma_semaphore, #tpu.memory_space<semaphore_mem>>) src(%dma_wait3A_104 : memref<50000x16xbf16, #tpu.memory_space<vmem_shared>>) dst(%arg18 : memref<2560x16xbf16, #tpu.memory_space<vmem>>)
      %add3A_105 = arith.constant 7680 : i32
      %add3A_106 = arith.addi %add3A_40, %add3A_105 : i32
      %dma_start3A_107 = arith.constant 0 : i32
      %dma_start3A_108 = tpu.memref_slice %arg10[%add3A_106, %dma_start3A_107] : memref<1638400x16xbf16, #tpu.memory_space<hbm>> -> memref<2560x16xbf16, #tpu.memory_space<hbm>>
      %dma_start3A_109 = arith.constant 0 : i32
      %dma_start3A_110 = tpu.memref_slice %arg10[%add3A_106, %dma_start3A_109] : memref<1638400x16xbf16, #tpu.memory_space<hbm>> -> memref<2560x16xbf16, #tpu.memory_space<hbm>>
      tpu.enqueue_dma source(%arg18 : memref<2560x16xbf16, #tpu.memory_space<vmem>>) target(%dma_start3A_110 : memref<2560x16xbf16, #tpu.memory_space<hbm>>) target_semaphore(%arg31 : memref<!tpu.dma_semaphore, #tpu.memory_space<semaphore_mem>>)
      %dma_wait3A_111 = arith.constant 0 : i32
      %dma_wait3A_112 = tpu.memref_slice %arg10[%add3A_79, %dma_wait3A_111] : memref<1638400x16xbf16, #tpu.memory_space<hbm>> -> memref<2560x16xbf16, #tpu.memory_space<hbm>>
      %dma_wait3A_113 = arith.constant 0 : i32
      %dma_wait3A_114 = tpu.memref_slice %arg10[%add3A_79, %dma_wait3A_113] : memref<1638400x16xbf16, #tpu.memory_space<hbm>> -> memref<2560x16xbf16, #tpu.memory_space<hbm>>
      tpu.wait_dma2 semaphore(%arg28 : memref<!tpu.dma_semaphore, #tpu.memory_space<semaphore_mem>>) src(%arg15 : memref<2560x16xbf16, #tpu.memory_space<vmem>>) dst(%dma_wait3A_114 : memref<2560x16xbf16, #tpu.memory_space<hbm>>)
      %dma_wait3A_115 = arith.constant 0 : i32
      %dma_wait3A_116 = tpu.memref_slice %arg10[%add3A_88, %dma_wait3A_115] : memref<1638400x16xbf16, #tpu.memory_space<hbm>> -> memref<2560x16xbf16, #tpu.memory_space<hbm>>
      %dma_wait3A_117 = arith.constant 0 : i32
      %dma_wait3A_118 = tpu.memref_slice %arg10[%add3A_88, %dma_wait3A_117] : memref<1638400x16xbf16, #tpu.memory_space<hbm>> -> memref<2560x16xbf16, #tpu.memory_space<hbm>>
      tpu.wait_dma2 semaphore(%arg29 : memref<!tpu.dma_semaphore, #tpu.memory_space<semaphore_mem>>) src(%arg16 : memref<2560x16xbf16, #tpu.memory_space<vmem>>) dst(%dma_wait3A_118 : memref<2560x16xbf16, #tpu.memory_space<hbm>>)
      %dma_wait3A_119 = arith.constant 0 : i32
      %dma_wait3A_120 = tpu.memref_slice %arg10[%add3A_97, %dma_wait3A_119] : memref<1638400x16xbf16, #tpu.memory_space<hbm>> -> memref<2560x16xbf16, #tpu.memory_space<hbm>>
      %dma_wait3A_121 = arith.constant 0 : i32
      %dma_wait3A_122 = tpu.memref_slice %arg10[%add3A_97, %dma_wait3A_121] : memref<1638400x16xbf16, #tpu.memory_space<hbm>> -> memref<2560x16xbf16, #tpu.memory_space<hbm>>
      tpu.wait_dma2 semaphore(%arg30 : memref<!tpu.dma_semaphore, #tpu.memory_space<semaphore_mem>>) src(%arg17 : memref<2560x16xbf16, #tpu.memory_space<vmem>>) dst(%dma_wait3A_122 : memref<2560x16xbf16, #tpu.memory_space<hbm>>)
      %dma_wait3A_123 = arith.constant 0 : i32
      %dma_wait3A_124 = tpu.memref_slice %arg10[%add3A_106, %dma_wait3A_123] : memref<1638400x16xbf16, #tpu.memory_space<hbm>> -> memref<2560x16xbf16, #tpu.memory_space<hbm>>
      %dma_wait3A_125 = arith.constant 0 : i32
      %dma_wait3A_126 = tpu.memref_slice %arg10[%add3A_106, %dma_wait3A_125] : memref<1638400x16xbf16, #tpu.memory_space<hbm>> -> memref<2560x16xbf16, #tpu.memory_space<hbm>>
      tpu.wait_dma2 semaphore(%arg31 : memref<!tpu.dma_semaphore, #tpu.memory_space<semaphore_mem>>) src(%arg18 : memref<2560x16xbf16, #tpu.memory_space<vmem>>) dst(%dma_wait3A_126 : memref<2560x16xbf16, #tpu.memory_space<hbm>>)
    }
    %scan3A_35 = arith.constant 5 : i32
    %barrier3A_36 = arith.constant 0 : index
    tpu.barrier barrier_id(%barrier3A_36)
    return
  }
}

module attributes {stable_mosaic.version = 14 : i64} {
  func.func @_front_body(%arg0: i32, %arg1: memref<2000x128xf32, #tpu.memory_space<vmem>>, %arg2: memref<128x12xf32, #tpu.memory_space<vmem>>, %arg3: memref<1x12xf32, #tpu.memory_space<vmem>>, %arg4: memref<12x16xf32, #tpu.memory_space<vmem>>, %arg5: memref<12x16xf32, #tpu.memory_space<vmem>>, %arg6: memref<12x16xf32, #tpu.memory_space<vmem>>, %arg7: memref<2000x12xf32, #tpu.memory_space<vmem>>, %arg8: memref<2000x16xbf16, #tpu.memory_space<vmem>>, %arg9: memref<2000x16xbf16, #tpu.memory_space<vmem>>, %arg10: memref<2000x16xbf16, #tpu.memory_space<vmem>>) attributes {dimension_semantics = [#tpu.dimension_semantics<arbitrary>], iteration_bounds = array<i64: 25>, scalar_prefetch = 0 : i64, scratch_operands = 0 : i64, tpu.core_type = #tpu.core_type<tc>, window_params = [{transform_indices = @transform_0, window_bounds = array<i64: 2000, 128>}, {pipeline_mode = #tpu.pipeline_mode<synchronous>, transform_indices = @transform_1, window_bounds = array<i64: 128, 12>}, {pipeline_mode = #tpu.pipeline_mode<synchronous>, transform_indices = @transform_2, window_bounds = array<i64: 1, 12>}, {pipeline_mode = #tpu.pipeline_mode<synchronous>, transform_indices = @transform_3, window_bounds = array<i64: 12, 16>}, {pipeline_mode = #tpu.pipeline_mode<synchronous>, transform_indices = @transform_4, window_bounds = array<i64: 12, 16>}, {pipeline_mode = #tpu.pipeline_mode<synchronous>, transform_indices = @transform_5, window_bounds = array<i64: 12, 16>}, {transform_indices = @transform_6, window_bounds = array<i64: 2000, 12>}, {transform_indices = @transform_7, window_bounds = array<i64: 2000, 16>}, {transform_indices = @transform_8, window_bounds = array<i64: 2000, 16>}, {transform_indices = @transform_9, window_bounds = array<i64: 2000, 16>}]} {
    %get3A = arith.constant 0 : index
    %get3A_0 = arith.constant 0 : index
    %get3A_1 = vector.load %arg1[%get3A, %get3A_0] : memref<2000x128xf32, #tpu.memory_space<vmem>>, vector<2000x128xf32>
    %get3A_2 = arith.constant 0 : index
    %get3A_3 = arith.constant 0 : index
    %get3A_4 = vector.load %arg2[%get3A_2, %get3A_3] : memref<128x12xf32, #tpu.memory_space<vmem>>, vector<128x12xf32>
    %dot_general3A = arith.constant dense<0.000000e+00> : vector<2000x12xf32>
    %dot_general3A_5 = tpu.matmul %get3A_1, %get3A_4, %dot_general3A {dimension_numbers = #tpu.dot_dimension_numbers<[1], [0], [0], [1], [0, 0, 1, 1], [], []>, transpose_lhs_hint = false} : vector<2000x128xf32>, vector<128x12xf32>, vector<2000x12xf32> -> vector<2000x12xf32>
    %get3A_6 = arith.constant 0 : index
    %get3A_7 = arith.constant 0 : index
    %get3A_8 = vector.load %arg3[%get3A_6, %get3A_7] : memref<1x12xf32, #tpu.memory_space<vmem>>, vector<1x12xf32>
    %add3A = vector.broadcast %get3A_8 : vector<1x12xf32> to vector<2000x12xf32>
    %add3A_9 = arith.addf %dot_general3A_5, %add3A : vector<2000x12xf32>
    %max3A = arith.constant 0.000000e+00 : f32
    %max3A_10 = vector.broadcast %max3A : f32 to vector<2000x12xf32>
    %max3A_11 = arith.maximumf %add3A_9, %max3A_10 : vector<2000x12xf32>
    %swap3A = arith.constant 0 : index
    %swap3A_12 = arith.constant 0 : index
    %swap3A_13 = vector.load %arg7[%swap3A, %swap3A_12] : memref<2000x12xf32, #tpu.memory_space<vmem>>, vector<2000x12xf32>
    tpu.vector_store %arg7[%swap3A, %swap3A_12], %max3A_11 {strides = array<i32>} : memref<2000x12xf32, #tpu.memory_space<vmem>>, vector<2000x12xf32>,
    %get3A_14 = arith.constant 0 : index
    %get3A_15 = arith.constant 0 : index
    %get3A_16 = vector.load %arg4[%get3A_14, %get3A_15] : memref<12x16xf32, #tpu.memory_space<vmem>>, vector<12x16xf32>
    %dot_general3A_17 = arith.constant dense<0.000000e+00> : vector<2000x16xf32>
    %dot_general3A_18 = tpu.matmul %max3A_11, %get3A_16, %dot_general3A_17 {dimension_numbers = #tpu.dot_dimension_numbers<[1], [0], [0], [1], [0, 0, 1, 1], [], []>, transpose_lhs_hint = false} : vector<2000x12xf32>, vector<12x16xf32>, vector<2000x16xf32> -> vector<2000x16xf32>
    %convert_element_type3A = arith.truncf %dot_general3A_18 : vector<2000x16xf32> to vector<2000x16xbf16>
    %swap3A_19 = arith.constant 0 : index
    %swap3A_20 = arith.constant 0 : index
    %swap3A_21 = vector.load %arg8[%swap3A_19, %swap3A_20] : memref<2000x16xbf16, #tpu.memory_space<vmem>>, vector<2000x16xbf16>
    tpu.vector_store %arg8[%swap3A_19, %swap3A_20], %convert_element_type3A {strides = array<i32>} : memref<2000x16xbf16, #tpu.memory_space<vmem>>, vector<2000x16xbf16>,
    %get3A_22 = arith.constant 0 : index
    %get3A_23 = arith.constant 0 : index
    %get3A_24 = vector.load %arg5[%get3A_22, %get3A_23] : memref<12x16xf32, #tpu.memory_space<vmem>>, vector<12x16xf32>
    %dot_general3A_25 = arith.constant dense<0.000000e+00> : vector<2000x16xf32>
    %dot_general3A_26 = tpu.matmul %max3A_11, %get3A_24, %dot_general3A_25 {dimension_numbers = #tpu.dot_dimension_numbers<[1], [0], [0], [1], [0, 0, 1, 1], [], []>, transpose_lhs_hint = false} : vector<2000x12xf32>, vector<12x16xf32>, vector<2000x16xf32> -> vector<2000x16xf32>
    %convert_element_type3A_27 = arith.truncf %dot_general3A_26 : vector<2000x16xf32> to vector<2000x16xbf16>
    %swap3A_28 = arith.constant 0 : index
    %swap3A_29 = arith.constant 0 : index
    %swap3A_30 = vector.load %arg9[%swap3A_28, %swap3A_29] : memref<2000x16xbf16, #tpu.memory_space<vmem>>, vector<2000x16xbf16>
    tpu.vector_store %arg9[%swap3A_28, %swap3A_29], %convert_element_type3A_27 {strides = array<i32>} : memref<2000x16xbf16, #tpu.memory_space<vmem>>, vector<2000x16xbf16>,
    %get3A_31 = arith.constant 0 : index
    %get3A_32 = arith.constant 0 : index
    %get3A_33 = vector.load %arg6[%get3A_31, %get3A_32] : memref<12x16xf32, #tpu.memory_space<vmem>>, vector<12x16xf32>
    %dot_general3A_34 = arith.constant dense<0.000000e+00> : vector<2000x16xf32>
    %dot_general3A_35 = tpu.matmul %max3A_11, %get3A_33, %dot_general3A_34 {dimension_numbers = #tpu.dot_dimension_numbers<[1], [0], [0], [1], [0, 0, 1, 1], [], []>, transpose_lhs_hint = false} : vector<2000x12xf32>, vector<12x16xf32>, vector<2000x16xf32> -> vector<2000x16xf32>
    %convert_element_type3A_36 = arith.truncf %dot_general3A_35 : vector<2000x16xf32> to vector<2000x16xbf16>
    %swap3A_37 = arith.constant 0 : index
    %swap3A_38 = arith.constant 0 : index
    %swap3A_39 = vector.load %arg10[%swap3A_37, %swap3A_38] : memref<2000x16xbf16, #tpu.memory_space<vmem>>, vector<2000x16xbf16>
    tpu.vector_store %arg10[%swap3A_37, %swap3A_38], %convert_element_type3A_36 {strides = array<i32>} : memref<2000x16xbf16, #tpu.memory_space<vmem>>, vector<2000x16xbf16>,
    return
  }
  func.func @transform_0(%arg0: i32) -> (i32, i32) {
    %c0_i32 = arith.constant 0 : i32
    %c0_i32_0 = arith.constant 0 : i32
    return %arg0, %c0_i32 : i32, i32
  }
  func.func @transform_1(%arg0: i32) -> (i32, i32) {
    %c0_i32 = arith.constant 0 : i32
    %c0_i32_0 = arith.constant 0 : i32
    %c0_i32_1 = arith.constant 0 : i32
    return %c0_i32, %c0_i32_0 : i32, i32
  }
  func.func @transform_2(%arg0: i32) -> (i32, i32) {
    %c0_i32 = arith.constant 0 : i32
    %c0_i32_0 = arith.constant 0 : i32
    %c0_i32_1 = arith.constant 0 : i32
    return %c0_i32, %c0_i32_0 : i32, i32
  }
  func.func @transform_3(%arg0: i32) -> (i32, i32) {
    %c0_i32 = arith.constant 0 : i32
    %c0_i32_0 = arith.constant 0 : i32
    %c0_i32_1 = arith.constant 0 : i32
    return %c0_i32, %c0_i32_0 : i32, i32
  }
  func.func @transform_4(%arg0: i32) -> (i32, i32) {
    %c0_i32 = arith.constant 0 : i32
    %c0_i32_0 = arith.constant 0 : i32
    %c0_i32_1 = arith.constant 0 : i32
    return %c0_i32, %c0_i32_0 : i32, i32
  }
  func.func @transform_5(%arg0: i32) -> (i32, i32) {
    %c0_i32 = arith.constant 0 : i32
    %c0_i32_0 = arith.constant 0 : i32
    %c0_i32_1 = arith.constant 0 : i32
    return %c0_i32, %c0_i32_0 : i32, i32
  }
  func.func @transform_6(%arg0: i32) -> (i32, i32) {
    %c0_i32 = arith.constant 0 : i32
    %c0_i32_0 = arith.constant 0 : i32
    return %arg0, %c0_i32 : i32, i32
  }
  func.func @transform_7(%arg0: i32) -> (i32, i32) {
    %c0_i32 = arith.constant 0 : i32
    %c0_i32_0 = arith.constant 0 : i32
    return %arg0, %c0_i32 : i32, i32
  }
  func.func @transform_8(%arg0: i32) -> (i32, i32) {
    %c0_i32 = arith.constant 0 : i32
    %c0_i32_0 = arith.constant 0 : i32
    return %arg0, %c0_i32 : i32, i32
  }
  func.func @transform_9(%arg0: i32) -> (i32, i32) {
    %c0_i32 = arith.constant 0 : i32
    %c0_i32_0 = arith.constant 0 : i32
    return %arg0, %c0_i32 : i32, i32
  }
}

module attributes {stable_mosaic.version = 14 : i64} {
  func.func @_back_body(%arg0: i32, %arg1: memref<8x128xf32, #tpu.memory_space<vmem>>, %arg2: memref<1x128xf32, #tpu.memory_space<vmem>>, %arg3: memref<128x12xf32, #tpu.memory_space<vmem>>, %arg4: memref<1000x12xf32, #tpu.memory_space<vmem>>, %arg5: memref<4000x8xf32, #tpu.memory_space<vmem>>, %arg6: memref<4000x8xf32, #tpu.memory_space<vmem>>, %arg7: memref<4000x8xf32, #tpu.memory_space<vmem>>, %arg8: memref<4000x128xbf16, #tpu.memory_space<vmem>>, %arg9: memref<4000x128xbf16, #tpu.memory_space<vmem>>, %arg10: memref<4000x128xbf16, #tpu.memory_space<vmem>>, %arg11: memref<128x128xbf16, #tpu.memory_space<vmem>>, %arg12: memref<1x128xf32, #tpu.memory_space<vmem>>, %arg13: memref<12x12xf32, #tpu.memory_space<vmem>>, %arg14: memref<12x12xf32, #tpu.memory_space<vmem>>, %arg15: memref<1x12xf32, #tpu.memory_space<vmem>>, %arg16: memref<128x128xbf16, #tpu.memory_space<vmem>>, %arg17: memref<1x128xf32, #tpu.memory_space<vmem>>, %arg18: memref<12x12xf32, #tpu.memory_space<vmem>>, %arg19: memref<12x12xf32, #tpu.memory_space<vmem>>, %arg20: memref<1x12xf32, #tpu.memory_space<vmem>>, %arg21: memref<128x128xbf16, #tpu.memory_space<vmem>>, %arg22: memref<1x128xf32, #tpu.memory_space<vmem>>, %arg23: memref<12x12xf32, #tpu.memory_space<vmem>>, %arg24: memref<12x12xf32, #tpu.memory_space<vmem>>, %arg25: memref<1x12xf32, #tpu.memory_space<vmem>>, %arg26: memref<1x1000x12xf32, #tpu.memory_space<vmem>>, %arg27: memref<1x1000x12xf32, #tpu.memory_space<vmem>>, %arg28: memref<1x1000x12xf32, #tpu.memory_space<vmem>>) attributes {dimension_semantics = [#tpu.dimension_semantics<arbitrary>], iteration_bounds = array<i64: 50>, scalar_prefetch = 0 : i64, scratch_operands = 0 : i64, tpu.core_type = #tpu.core_type<tc>, window_params = [{pipeline_mode = #tpu.pipeline_mode<synchronous>, transform_indices = @transform_0, window_bounds = array<i64: 8, 128>}, {pipeline_mode = #tpu.pipeline_mode<synchronous>, transform_indices = @transform_1, window_bounds = array<i64: 1, 128>}, {pipeline_mode = #tpu.pipeline_mode<synchronous>, transform_indices = @transform_2, window_bounds = array<i64: 128, 12>}, {transform_indices = @transform_3, window_bounds = array<i64: 1000, 12>}, {transform_indices = @transform_4, window_bounds = array<i64: 4000, 8>}, {transform_indices = @transform_5, window_bounds = array<i64: 4000, 8>}, {transform_indices = @transform_6, window_bounds = array<i64: 4000, 8>}, {transform_indices = @transform_7, window_bounds = array<i64: 4000, 128>}, {transform_indices = @transform_8, window_bounds = array<i64: 4000, 128>}, {transform_indices = @transform_9, window_bounds = array<i64: 4000, 128>}, {pipeline_mode = #tpu.pipeline_mode<synchronous>, transform_indices = @transform_10, window_bounds = array<i64: 128, 128>}, {pipeline_mode = #tpu.pipeline_mode<synchronous>, transform_indices = @transform_11, window_bounds = array<i64: 1, 128>}, {pipeline_mode = #tpu.pipeline_mode<synchronous>, transform_indices = @transform_12, window_bounds = array<i64: 12, 12>}, {pipeline_mode = #tpu.pipeline_mode<synchronous>, transform_indices = @transform_13, window_bounds = array<i64: 12, 12>}, {pipeline_mode = #tpu.pipeline_mode<synchronous>, transform_indices = @transform_14, window_bounds = array<i64: 1, 12>}, {pipeline_mode = #tpu.pipeline_mode<synchronous>, transform_indices = @transform_15, window_bounds = array<i64: 128, 128>}, {pipeline_mode = #tpu.pipeline_mode<synchronous>, transform_indices = @transform_16, window_bounds = array<i64: 1, 128>}, {pipeline_mode = #tpu.pipeline_mode<synchronous>, transform_indices = @transform_17, window_bounds = array<i64: 12, 12>}, {pipeline_mode = #tpu.pipeline_mode<synchronous>, transform_indices = @transform_18, window_bounds = array<i64: 12, 12>}, {pipeline_mode = #tpu.pipeline_mode<synchronous>, transform_indices = @transform_19, window_bounds = array<i64: 1, 12>}, {pipeline_mode = #tpu.pipeline_mode<synchronous>, transform_indices = @transform_20, window_bounds = array<i64: 128, 128>}, {pipeline_mode = #tpu.pipeline_mode<synchronous>, transform_indices = @transform_21, window_bounds = array<i64: 1, 128>}, {pipeline_mode = #tpu.pipeline_mode<synchronous>, transform_indices = @transform_22, window_bounds = array<i64: 12, 12>}, {pipeline_mode = #tpu.pipeline_mode<synchronous>, transform_indices = @transform_23, window_bounds = array<i64: 12, 12>}, {pipeline_mode = #tpu.pipeline_mode<synchronous>, transform_indices = @transform_24, window_bounds = array<i64: 1, 12>}, {transform_indices = @transform_25, window_bounds = array<i64: 1, 1000, 12>}, {transform_indices = @transform_26, window_bounds = array<i64: 1, 1000, 12>}, {transform_indices = @transform_27, window_bounds = array<i64: 1, 1000, 12>}]} {
    %get3A = arith.constant 0 : index
    %get3A_0 = arith.constant 0 : index
    %get3A_1 = vector.load %arg4[%get3A, %get3A_0] : memref<1000x12xf32, #tpu.memory_space<vmem>>, vector<1000x12xf32>
    %get3A_2 = arith.constant 0 : index
    %get3A_3 = arith.constant 0 : index
    %get3A_4 = vector.load %arg1[%get3A_2, %get3A_3] : memref<8x128xf32, #tpu.memory_space<vmem>>, vector<8x128xf32>
    %get3A_5 = arith.constant 0 : index
    %get3A_6 = arith.constant 0 : index
    %get3A_7 = vector.load %arg2[%get3A_5, %get3A_6] : memref<1x128xf32, #tpu.memory_space<vmem>>, vector<1x128xf32>
    %get3A_8 = arith.constant 0 : index
    %get3A_9 = arith.constant 0 : index
    %get3A_10 = vector.load %arg3[%get3A_8, %get3A_9] : memref<128x12xf32, #tpu.memory_space<vmem>>, vector<128x12xf32>
    %get3A_11 = arith.constant 0 : index
    %get3A_12 = arith.constant 0 : index
    %get3A_13 = vector.load %arg5[%get3A_11, %get3A_12] : memref<4000x8xf32, #tpu.memory_space<vmem>>, vector<4000x8xf32>
    %dot_general3A = arith.constant dense<0.000000e+00> : vector<4000x128xf32>
    %dot_general3A_14 = tpu.matmul %get3A_13, %get3A_4, %dot_general3A {dimension_numbers = #tpu.dot_dimension_numbers<[1], [0], [0], [1], [0, 0, 1, 1], [], []>, transpose_lhs_hint = false} : vector<4000x8xf32>, vector<8x128xf32>, vector<4000x128xf32> -> vector<4000x128xf32>
    %sub3A = vector.broadcast %get3A_7 : vector<1x128xf32> to vector<4000x128xf32>
    %sub3A_15 = arith.subf %dot_general3A_14, %sub3A : vector<4000x128xf32>
    %mul3A = arith.mulf %sub3A_15, %sub3A_15 : vector<4000x128xf32>
    %neg3A = arith.constant 0.000000e+00 : f32
    %neg3A_16 = vector.broadcast %neg3A : f32 to vector<4000x128xf32>
    %neg3A_17 = arith.subf %neg3A_16, %mul3A : vector<4000x128xf32>
    %div3A = arith.constant 2.000000e+00 : f32
    %div3A_18 = vector.broadcast %div3A : f32 to vector<4000x128xf32>
    %div3A_19 = arith.divf %neg3A_17, %div3A_18 : vector<4000x128xf32>
    %integer_pow3A = arith.constant 1.500000e-02 : f32
    %integer_pow3A_20 = arith.mulf %integer_pow3A, %integer_pow3A : f32
    %div3A_21 = vector.broadcast %integer_pow3A_20 : f32 to vector<4000x128xf32>
    %div3A_22 = arith.divf %div3A_19, %div3A_21 : vector<4000x128xf32>
    %exp3A = math.exp %div3A_22 : vector<4000x128xf32>
    %convert_element_type3A = arith.truncf %exp3A : vector<4000x128xf32> to vector<4000x128xbf16>
    %get3A_23 = arith.constant 0 : index
    %get3A_24 = arith.constant 0 : index
    %get3A_25 = vector.load %arg11[%get3A_23, %get3A_24] : memref<128x128xbf16, #tpu.memory_space<vmem>>, vector<128x128xbf16>
    %dot_general3A_26 = arith.constant dense<0.000000e+00> : vector<4000x128xf32>
    %dot_general3A_27 = tpu.matmul %convert_element_type3A, %get3A_25, %dot_general3A_26 {dimension_numbers = #tpu.dot_dimension_numbers<[1], [0], [0], [1], [0, 0, 1, 1], [], []>, transpose_lhs_hint = false} : vector<4000x128xbf16>, vector<128x128xbf16>, vector<4000x128xf32> -> vector<4000x128xf32>
    %get3A_28 = arith.constant 0 : index
    %get3A_29 = arith.constant 0 : index
    %get3A_30 = vector.load %arg12[%get3A_28, %get3A_29] : memref<1x128xf32, #tpu.memory_space<vmem>>, vector<1x128xf32>
    %add3A = vector.broadcast %get3A_30 : vector<1x128xf32> to vector<4000x128xf32>
    %add3A_31 = arith.addf %dot_general3A_27, %add3A : vector<4000x128xf32>
    %get3A_32 = arith.constant 0 : index
    %get3A_33 = arith.constant 0 : index
    %get3A_34 = vector.load %arg8[%get3A_32, %get3A_33] : memref<4000x128xbf16, #tpu.memory_space<vmem>>, vector<4000x128xbf16>
    %convert_element_type3A_35 = arith.extf %get3A_34 : vector<4000x128xbf16> to vector<4000x128xf32>
    %add3A_36 = arith.addf %convert_element_type3A_35, %add3A_31 : vector<4000x128xf32>
    %max3A = arith.constant 0.000000e+00 : f32
    %max3A_37 = vector.broadcast %max3A : f32 to vector<4000x128xf32>
    %max3A_38 = arith.maximumf %add3A_36, %max3A_37 : vector<4000x128xf32>
    %reshape3A = vector.shape_cast %max3A_38 : vector<4000x128xf32> to vector<1000x4x128xf32>
    %reduce_sum3A = arith.constant dense<0.000000e+00> : vector<1000x128xf32>
    %reduce_sum3A_39 = vector.multi_reduction <add>, %reshape3A, %reduce_sum3A [1] : vector<1000x4x128xf32> to vector<1000x128xf32>
    %dot_general3A_40 = arith.constant dense<0.000000e+00> : vector<1000x12xf32>
    %dot_general3A_41 = tpu.matmul %reduce_sum3A_39, %get3A_10, %dot_general3A_40 {dimension_numbers = #tpu.dot_dimension_numbers<[1], [0], [0], [1], [0, 0, 1, 1], [], []>, transpose_lhs_hint = false} : vector<1000x128xf32>, vector<128x12xf32>, vector<1000x12xf32> -> vector<1000x12xf32>
    %get3A_42 = arith.constant 0 : index
    %get3A_43 = arith.constant 0 : index
    %get3A_44 = vector.load %arg13[%get3A_42, %get3A_43] : memref<12x12xf32, #tpu.memory_space<vmem>>, vector<12x12xf32>
    %dot_general3A_45 = arith.constant dense<0.000000e+00> : vector<1000x12xf32>
    %dot_general3A_46 = tpu.matmul %get3A_1, %get3A_44, %dot_general3A_45 {dimension_numbers = #tpu.dot_dimension_numbers<[1], [0], [0], [1], [0, 0, 1, 1], [], []>, transpose_lhs_hint = false} : vector<1000x12xf32>, vector<12x12xf32>, vector<1000x12xf32> -> vector<1000x12xf32>
    %get3A_47 = arith.constant 0 : index
    %get3A_48 = arith.constant 0 : index
    %get3A_49 = vector.load %arg14[%get3A_47, %get3A_48] : memref<12x12xf32, #tpu.memory_space<vmem>>, vector<12x12xf32>
    %dot_general3A_50 = arith.constant dense<0.000000e+00> : vector<1000x12xf32>
    %dot_general3A_51 = tpu.matmul %dot_general3A_41, %get3A_49, %dot_general3A_50 {dimension_numbers = #tpu.dot_dimension_numbers<[1], [0], [0], [1], [0, 0, 1, 1], [], []>, transpose_lhs_hint = false} : vector<1000x12xf32>, vector<12x12xf32>, vector<1000x12xf32> -> vector<1000x12xf32>
    %add3A_52 = arith.addf %dot_general3A_46, %dot_general3A_51 : vector<1000x12xf32>
    %get3A_53 = arith.constant 0 : index
    %get3A_54 = arith.constant 0 : index
    %get3A_55 = vector.load %arg15[%get3A_53, %get3A_54] : memref<1x12xf32, #tpu.memory_space<vmem>>, vector<1x12xf32>
    %add3A_56 = vector.broadcast %get3A_55 : vector<1x12xf32> to vector<1000x12xf32>
    %add3A_57 = arith.addf %add3A_52, %add3A_56 : vector<1000x12xf32>
    %logistic3A = arith.negf %add3A_57 : vector<1000x12xf32>
    %logistic3A_58 = math.exp %logistic3A : vector<1000x12xf32>
    %logistic3A_59 = arith.constant 1.000000e+00 : f32
    %logistic3A_60 = vector.broadcast %logistic3A_59 : f32 to vector<1000x12xf32>
    %logistic3A_61 = arith.addf %logistic3A_60, %logistic3A_58 : vector<1000x12xf32>
    %logistic3A_62 = arith.divf %logistic3A_60, %logistic3A_61 : vector<1000x12xf32>
    %reshape3A_63 = vector.shape_cast %logistic3A_62 : vector<1000x12xf32> to vector<1x1000x12xf32>
    %swap3A = arith.constant 0 : index
    %swap3A_64 = arith.constant 0 : index
    %swap3A_65 = arith.constant 0 : index
    %swap3A_66 = vector.load %arg26[%swap3A, %swap3A_64, %swap3A_65] : memref<1x1000x12xf32, #tpu.memory_space<vmem>>, vector<1x1000x12xf32>
    tpu.vector_store %arg26[%swap3A, %swap3A_64, %swap3A_65], %reshape3A_63 {strides = array<i32>} : memref<1x1000x12xf32, #tpu.memory_space<vmem>>, vector<1x1000x12xf32>,
    %get3A_67 = arith.constant 0 : index
    %get3A_68 = arith.constant 0 : index
    %get3A_69 = vector.load %arg6[%get3A_67, %get3A_68] : memref<4000x8xf32, #tpu.memory_space<vmem>>, vector<4000x8xf32>
    %dot_general3A_70 = arith.constant dense<0.000000e+00> : vector<4000x128xf32>
    %dot_general3A_71 = tpu.matmul %get3A_69, %get3A_4, %dot_general3A_70 {dimension_numbers = #tpu.dot_dimension_numbers<[1], [0], [0], [1], [0, 0, 1, 1], [], []>, transpose_lhs_hint = false} : vector<4000x8xf32>, vector<8x128xf32>, vector<4000x128xf32> -> vector<4000x128xf32>
    %sub3A_72 = vector.broadcast %get3A_7 : vector<1x128xf32> to vector<4000x128xf32>
    %sub3A_73 = arith.subf %dot_general3A_71, %sub3A_72 : vector<4000x128xf32>
    %mul3A_74 = arith.mulf %sub3A_73, %sub3A_73 : vector<4000x128xf32>
    %neg3A_75 = arith.constant 0.000000e+00 : f32
    %neg3A_76 = vector.broadcast %neg3A_75 : f32 to vector<4000x128xf32>
    %neg3A_77 = arith.subf %neg3A_76, %mul3A_74 : vector<4000x128xf32>
    %div3A_78 = arith.constant 2.000000e+00 : f32
    %div3A_79 = vector.broadcast %div3A_78 : f32 to vector<4000x128xf32>
    %div3A_80 = arith.divf %neg3A_77, %div3A_79 : vector<4000x128xf32>
    %integer_pow3A_81 = arith.constant 1.500000e-02 : f32
    %integer_pow3A_82 = arith.mulf %integer_pow3A_81, %integer_pow3A_81 : f32
    %div3A_83 = vector.broadcast %integer_pow3A_82 : f32 to vector<4000x128xf32>
    %div3A_84 = arith.divf %div3A_80, %div3A_83 : vector<4000x128xf32>
    %exp3A_85 = math.exp %div3A_84 : vector<4000x128xf32>
    %convert_element_type3A_86 = arith.truncf %exp3A_85 : vector<4000x128xf32> to vector<4000x128xbf16>
    %get3A_87 = arith.constant 0 : index
    %get3A_88 = arith.constant 0 : index
    %get3A_89 = vector.load %arg16[%get3A_87, %get3A_88] : memref<128x128xbf16, #tpu.memory_space<vmem>>, vector<128x128xbf16>
    %dot_general3A_90 = arith.constant dense<0.000000e+00> : vector<4000x128xf32>
    %dot_general3A_91 = tpu.matmul %convert_element_type3A_86, %get3A_89, %dot_general3A_90 {dimension_numbers = #tpu.dot_dimension_numbers<[1], [0], [0], [1], [0, 0, 1, 1], [], []>, transpose_lhs_hint = false} : vector<4000x128xbf16>, vector<128x128xbf16>, vector<4000x128xf32> -> vector<4000x128xf32>
    %get3A_92 = arith.constant 0 : index
    %get3A_93 = arith.constant 0 : index
    %get3A_94 = vector.load %arg17[%get3A_92, %get3A_93] : memref<1x128xf32, #tpu.memory_space<vmem>>, vector<1x128xf32>
    %add3A_95 = vector.broadcast %get3A_94 : vector<1x128xf32> to vector<4000x128xf32>
    %add3A_96 = arith.addf %dot_general3A_91, %add3A_95 : vector<4000x128xf32>
    %get3A_97 = arith.constant 0 : index
    %get3A_98 = arith.constant 0 : index
    %get3A_99 = vector.load %arg9[%get3A_97, %get3A_98] : memref<4000x128xbf16, #tpu.memory_space<vmem>>, vector<4000x128xbf16>
    %convert_element_type3A_100 = arith.extf %get3A_99 : vector<4000x128xbf16> to vector<4000x128xf32>
    %add3A_101 = arith.addf %convert_element_type3A_100, %add3A_96 : vector<4000x128xf32>
    %max3A_102 = arith.constant 0.000000e+00 : f32
    %max3A_103 = vector.broadcast %max3A_102 : f32 to vector<4000x128xf32>
    %max3A_104 = arith.maximumf %add3A_101, %max3A_103 : vector<4000x128xf32>
    %reshape3A_105 = vector.shape_cast %max3A_104 : vector<4000x128xf32> to vector<1000x4x128xf32>
    %reduce_sum3A_106 = arith.constant dense<0.000000e+00> : vector<1000x128xf32>
    %reduce_sum3A_107 = vector.multi_reduction <add>, %reshape3A_105, %reduce_sum3A_106 [1] : vector<1000x4x128xf32> to vector<1000x128xf32>
    %dot_general3A_108 = arith.constant dense<0.000000e+00> : vector<1000x12xf32>
    %dot_general3A_109 = tpu.matmul %reduce_sum3A_107, %get3A_10, %dot_general3A_108 {dimension_numbers = #tpu.dot_dimension_numbers<[1], [0], [0], [1], [0, 0, 1, 1], [], []>, transpose_lhs_hint = false} : vector<1000x128xf32>, vector<128x12xf32>, vector<1000x12xf32> -> vector<1000x12xf32>
    %get3A_110 = arith.constant 0 : index
    %get3A_111 = arith.constant 0 : index
    %get3A_112 = vector.load %arg18[%get3A_110, %get3A_111] : memref<12x12xf32, #tpu.memory_space<vmem>>, vector<12x12xf32>
    %dot_general3A_113 = arith.constant dense<0.000000e+00> : vector<1000x12xf32>
    %dot_general3A_114 = tpu.matmul %get3A_1, %get3A_112, %dot_general3A_113 {dimension_numbers = #tpu.dot_dimension_numbers<[1], [0], [0], [1], [0, 0, 1, 1], [], []>, transpose_lhs_hint = false} : vector<1000x12xf32>, vector<12x12xf32>, vector<1000x12xf32> -> vector<1000x12xf32>
    %get3A_115 = arith.constant 0 : index
    %get3A_116 = arith.constant 0 : index
    %get3A_117 = vector.load %arg19[%get3A_115, %get3A_116] : memref<12x12xf32, #tpu.memory_space<vmem>>, vector<12x12xf32>
    %dot_general3A_118 = arith.constant dense<0.000000e+00> : vector<1000x12xf32>
    %dot_general3A_119 = tpu.matmul %dot_general3A_109, %get3A_117, %dot_general3A_118 {dimension_numbers = #tpu.dot_dimension_numbers<[1], [0], [0], [1], [0, 0, 1, 1], [], []>, transpose_lhs_hint = false} : vector<1000x12xf32>, vector<12x12xf32>, vector<1000x12xf32> -> vector<1000x12xf32>
    %add3A_120 = arith.addf %dot_general3A_114, %dot_general3A_119 : vector<1000x12xf32>
    %get3A_121 = arith.constant 0 : index
    %get3A_122 = arith.constant 0 : index
    %get3A_123 = vector.load %arg20[%get3A_121, %get3A_122] : memref<1x12xf32, #tpu.memory_space<vmem>>, vector<1x12xf32>
    %add3A_124 = vector.broadcast %get3A_123 : vector<1x12xf32> to vector<1000x12xf32>
    %add3A_125 = arith.addf %add3A_120, %add3A_124 : vector<1000x12xf32>
    %logistic3A_126 = arith.negf %add3A_125 : vector<1000x12xf32>
    %logistic3A_127 = math.exp %logistic3A_126 : vector<1000x12xf32>
    %logistic3A_128 = arith.constant 1.000000e+00 : f32
    %logistic3A_129 = vector.broadcast %logistic3A_128 : f32 to vector<1000x12xf32>
    %logistic3A_130 = arith.addf %logistic3A_129, %logistic3A_127 : vector<1000x12xf32>
    %logistic3A_131 = arith.divf %logistic3A_129, %logistic3A_130 : vector<1000x12xf32>
    %reshape3A_132 = vector.shape_cast %logistic3A_131 : vector<1000x12xf32> to vector<1x1000x12xf32>
    %swap3A_133 = arith.constant 0 : index
    %swap3A_134 = arith.constant 0 : index
    %swap3A_135 = arith.constant 0 : index
    %swap3A_136 = vector.load %arg27[%swap3A_133, %swap3A_134, %swap3A_135] : memref<1x1000x12xf32, #tpu.memory_space<vmem>>, vector<1x1000x12xf32>
    tpu.vector_store %arg27[%swap3A_133, %swap3A_134, %swap3A_135], %reshape3A_132 {strides = array<i32>} : memref<1x1000x12xf32, #tpu.memory_space<vmem>>, vector<1x1000x12xf32>,
    %get3A_137 = arith.constant 0 : index
    %get3A_138 = arith.constant 0 : index
    %get3A_139 = vector.load %arg7[%get3A_137, %get3A_138] : memref<4000x8xf32, #tpu.memory_space<vmem>>, vector<4000x8xf32>
    %dot_general3A_140 = arith.constant dense<0.000000e+00> : vector<4000x128xf32>
    %dot_general3A_141 = tpu.matmul %get3A_139, %get3A_4, %dot_general3A_140 {dimension_numbers = #tpu.dot_dimension_numbers<[1], [0], [0], [1], [0, 0, 1, 1], [], []>, transpose_lhs_hint = false} : vector<4000x8xf32>, vector<8x128xf32>, vector<4000x128xf32> -> vector<4000x128xf32>
    %sub3A_142 = vector.broadcast %get3A_7 : vector<1x128xf32> to vector<4000x128xf32>
    %sub3A_143 = arith.subf %dot_general3A_141, %sub3A_142 : vector<4000x128xf32>
    %mul3A_144 = arith.mulf %sub3A_143, %sub3A_143 : vector<4000x128xf32>
    %neg3A_145 = arith.constant 0.000000e+00 : f32
    %neg3A_146 = vector.broadcast %neg3A_145 : f32 to vector<4000x128xf32>
    %neg3A_147 = arith.subf %neg3A_146, %mul3A_144 : vector<4000x128xf32>
    %div3A_148 = arith.constant 2.000000e+00 : f32
    %div3A_149 = vector.broadcast %div3A_148 : f32 to vector<4000x128xf32>
    %div3A_150 = arith.divf %neg3A_147, %div3A_149 : vector<4000x128xf32>
    %integer_pow3A_151 = arith.constant 1.500000e-02 : f32
    %integer_pow3A_152 = arith.mulf %integer_pow3A_151, %integer_pow3A_151 : f32
    %div3A_153 = vector.broadcast %integer_pow3A_152 : f32 to vector<4000x128xf32>
    %div3A_154 = arith.divf %div3A_150, %div3A_153 : vector<4000x128xf32>
    %exp3A_155 = math.exp %div3A_154 : vector<4000x128xf32>
    %convert_element_type3A_156 = arith.truncf %exp3A_155 : vector<4000x128xf32> to vector<4000x128xbf16>
    %get3A_157 = arith.constant 0 : index
    %get3A_158 = arith.constant 0 : index
    %get3A_159 = vector.load %arg21[%get3A_157, %get3A_158] : memref<128x128xbf16, #tpu.memory_space<vmem>>, vector<128x128xbf16>
    %dot_general3A_160 = arith.constant dense<0.000000e+00> : vector<4000x128xf32>
    %dot_general3A_161 = tpu.matmul %convert_element_type3A_156, %get3A_159, %dot_general3A_160 {dimension_numbers = #tpu.dot_dimension_numbers<[1], [0], [0], [1], [0, 0, 1, 1], [], []>, transpose_lhs_hint = false} : vector<4000x128xbf16>, vector<128x128xbf16>, vector<4000x128xf32> -> vector<4000x128xf32>
    %get3A_162 = arith.constant 0 : index
    %get3A_163 = arith.constant 0 : index
    %get3A_164 = vector.load %arg22[%get3A_162, %get3A_163] : memref<1x128xf32, #tpu.memory_space<vmem>>, vector<1x128xf32>
    %add3A_165 = vector.broadcast %get3A_164 : vector<1x128xf32> to vector<4000x128xf32>
    %add3A_166 = arith.addf %dot_general3A_161, %add3A_165 : vector<4000x128xf32>
    %get3A_167 = arith.constant 0 : index
    %get3A_168 = arith.constant 0 : index
    %get3A_169 = vector.load %arg10[%get3A_167, %get3A_168] : memref<4000x128xbf16, #tpu.memory_space<vmem>>, vector<4000x128xbf16>
    %convert_element_type3A_170 = arith.extf %get3A_169 : vector<4000x128xbf16> to vector<4000x128xf32>
    %add3A_171 = arith.addf %convert_element_type3A_170, %add3A_166 : vector<4000x128xf32>
    %max3A_172 = arith.constant 0.000000e+00 : f32
    %max3A_173 = vector.broadcast %max3A_172 : f32 to vector<4000x128xf32>
    %max3A_174 = arith.maximumf %add3A_171, %max3A_173 : vector<4000x128xf32>
    %reshape3A_175 = vector.shape_cast %max3A_174 : vector<4000x128xf32> to vector<1000x4x128xf32>
    %reduce_sum3A_176 = arith.constant dense<0.000000e+00> : vector<1000x128xf32>
    %reduce_sum3A_177 = vector.multi_reduction <add>, %reshape3A_175, %reduce_sum3A_176 [1] : vector<1000x4x128xf32> to vector<1000x128xf32>
    %dot_general3A_178 = arith.constant dense<0.000000e+00> : vector<1000x12xf32>
    %dot_general3A_179 = tpu.matmul %reduce_sum3A_177, %get3A_10, %dot_general3A_178 {dimension_numbers = #tpu.dot_dimension_numbers<[1], [0], [0], [1], [0, 0, 1, 1], [], []>, transpose_lhs_hint = false} : vector<1000x128xf32>, vector<128x12xf32>, vector<1000x12xf32> -> vector<1000x12xf32>
    %get3A_180 = arith.constant 0 : index
    %get3A_181 = arith.constant 0 : index
    %get3A_182 = vector.load %arg23[%get3A_180, %get3A_181] : memref<12x12xf32, #tpu.memory_space<vmem>>, vector<12x12xf32>
    %dot_general3A_183 = arith.constant dense<0.000000e+00> : vector<1000x12xf32>
    %dot_general3A_184 = tpu.matmul %get3A_1, %get3A_182, %dot_general3A_183 {dimension_numbers = #tpu.dot_dimension_numbers<[1], [0], [0], [1], [0, 0, 1, 1], [], []>, transpose_lhs_hint = false} : vector<1000x12xf32>, vector<12x12xf32>, vector<1000x12xf32> -> vector<1000x12xf32>
    %get3A_185 = arith.constant 0 : index
    %get3A_186 = arith.constant 0 : index
    %get3A_187 = vector.load %arg24[%get3A_185, %get3A_186] : memref<12x12xf32, #tpu.memory_space<vmem>>, vector<12x12xf32>
    %dot_general3A_188 = arith.constant dense<0.000000e+00> : vector<1000x12xf32>
    %dot_general3A_189 = tpu.matmul %dot_general3A_179, %get3A_187, %dot_general3A_188 {dimension_numbers = #tpu.dot_dimension_numbers<[1], [0], [0], [1], [0, 0, 1, 1], [], []>, transpose_lhs_hint = false} : vector<1000x12xf32>, vector<12x12xf32>, vector<1000x12xf32> -> vector<1000x12xf32>
    %add3A_190 = arith.addf %dot_general3A_184, %dot_general3A_189 : vector<1000x12xf32>
    %get3A_191 = arith.constant 0 : index
    %get3A_192 = arith.constant 0 : index
    %get3A_193 = vector.load %arg25[%get3A_191, %get3A_192] : memref<1x12xf32, #tpu.memory_space<vmem>>, vector<1x12xf32>
    %add3A_194 = vector.broadcast %get3A_193 : vector<1x12xf32> to vector<1000x12xf32>
    %add3A_195 = arith.addf %add3A_190, %add3A_194 : vector<1000x12xf32>
    %logistic3A_196 = arith.negf %add3A_195 : vector<1000x12xf32>
    %logistic3A_197 = math.exp %logistic3A_196 : vector<1000x12xf32>
    %logistic3A_198 = arith.constant 1.000000e+00 : f32
    %logistic3A_199 = vector.broadcast %logistic3A_198 : f32 to vector<1000x12xf32>
    %logistic3A_200 = arith.addf %logistic3A_199, %logistic3A_197 : vector<1000x12xf32>
    %logistic3A_201 = arith.divf %logistic3A_199, %logistic3A_200 : vector<1000x12xf32>
    %reshape3A_202 = vector.shape_cast %logistic3A_201 : vector<1000x12xf32> to vector<1x1000x12xf32>
    %swap3A_203 = arith.constant 0 : index
    %swap3A_204 = arith.constant 0 : index
    %swap3A_205 = arith.constant 0 : index
    %swap3A_206 = vector.load %arg28[%swap3A_203, %swap3A_204, %swap3A_205] : memref<1x1000x12xf32, #tpu.memory_space<vmem>>, vector<1x1000x12xf32>
    tpu.vector_store %arg28[%swap3A_203, %swap3A_204, %swap3A_205], %reshape3A_202 {strides = array<i32>} : memref<1x1000x12xf32, #tpu.memory_space<vmem>>, vector<1x1000x12xf32>,
    return
  }
  func.func @transform_0(%arg0: i32) -> (i32, i32) {
    %c0_i32 = arith.constant 0 : i32
    %c0_i32_0 = arith.constant 0 : i32
    %c0_i32_1 = arith.constant 0 : i32
    return %c0_i32, %c0_i32_0 : i32, i32
  }
  func.func @transform_1(%arg0: i32) -> (i32, i32) {
    %c0_i32 = arith.constant 0 : i32
    %c0_i32_0 = arith.constant 0 : i32
    %c0_i32_1 = arith.constant 0 : i32
    return %c0_i32, %c0_i32_0 : i32, i32
  }
  func.func @transform_2(%arg0: i32) -> (i32, i32) {
    %c0_i32 = arith.constant 0 : i32
    %c0_i32_0 = arith.constant 0 : i32
    %c0_i32_1 = arith.constant 0 : i32
    return %c0_i32, %c0_i32_0 : i32, i32
  }
  func.func @transform_3(%arg0: i32) -> (i32, i32) {
    %c0_i32 = arith.constant 0 : i32
    %c0_i32_0 = arith.constant 0 : i32
    return %arg0, %c0_i32 : i32, i32
  }
  func.func @transform_4(%arg0: i32) -> (i32, i32) {
    %c0_i32 = arith.constant 0 : i32
    %c0_i32_0 = arith.constant 0 : i32
    return %arg0, %c0_i32 : i32, i32
  }
  func.func @transform_5(%arg0: i32) -> (i32, i32) {
    %c0_i32 = arith.constant 0 : i32
    %c0_i32_0 = arith.constant 0 : i32
    return %arg0, %c0_i32 : i32, i32
  }
  func.func @transform_6(%arg0: i32) -> (i32, i32) {
    %c0_i32 = arith.constant 0 : i32
    %c0_i32_0 = arith.constant 0 : i32
    return %arg0, %c0_i32 : i32, i32
  }
  func.func @transform_7(%arg0: i32) -> (i32, i32) {
    %c0_i32 = arith.constant 0 : i32
    %c0_i32_0 = arith.constant 0 : i32
    return %arg0, %c0_i32 : i32, i32
  }
  func.func @transform_8(%arg0: i32) -> (i32, i32) {
    %c0_i32 = arith.constant 0 : i32
    %c0_i32_0 = arith.constant 0 : i32
    return %arg0, %c0_i32 : i32, i32
  }
  func.func @transform_9(%arg0: i32) -> (i32, i32) {
    %c0_i32 = arith.constant 0 : i32
    %c0_i32_0 = arith.constant 0 : i32
    return %arg0, %c0_i32 : i32, i32
  }
  func.func @transform_10(%arg0: i32) -> (i32, i32) {
    %c0_i32 = arith.constant 0 : i32
    %c0_i32_0 = arith.constant 0 : i32
    %c0_i32_1 = arith.constant 0 : i32
    return %c0_i32, %c0_i32_0 : i32, i32
  }
  func.func @transform_11(%arg0: i32) -> (i32, i32) {
    %c0_i32 = arith.constant 0 : i32
    %c0_i32_0 = arith.constant 0 : i32
    %c0_i32_1 = arith.constant 0 : i32
    return %c0_i32, %c0_i32_0 : i32, i32
  }
  func.func @transform_12(%arg0: i32) -> (i32, i32) {
    %c0_i32 = arith.constant 0 : i32
    %c0_i32_0 = arith.constant 0 : i32
    %c0_i32_1 = arith.constant 0 : i32
    return %c0_i32, %c0_i32_0 : i32, i32
  }
  func.func @transform_13(%arg0: i32) -> (i32, i32) {
    %c0_i32 = arith.constant 0 : i32
    %c0_i32_0 = arith.constant 0 : i32
    %c0_i32_1 = arith.constant 0 : i32
    return %c0_i32, %c0_i32_0 : i32, i32
  }
  func.func @transform_14(%arg0: i32) -> (i32, i32) {
    %c0_i32 = arith.constant 0 : i32
    %c0_i32_0 = arith.constant 0 : i32
    %c0_i32_1 = arith.constant 0 : i32
    return %c0_i32, %c0_i32_0 : i32, i32
  }
  func.func @transform_15(%arg0: i32) -> (i32, i32) {
    %c0_i32 = arith.constant 0 : i32
    %c0_i32_0 = arith.constant 0 : i32
    %c0_i32_1 = arith.constant 0 : i32
    return %c0_i32, %c0_i32_0 : i32, i32
  }
  func.func @transform_16(%arg0: i32) -> (i32, i32) {
    %c0_i32 = arith.constant 0 : i32
    %c0_i32_0 = arith.constant 0 : i32
    %c0_i32_1 = arith.constant 0 : i32
    return %c0_i32, %c0_i32_0 : i32, i32
  }
  func.func @transform_17(%arg0: i32) -> (i32, i32) {
    %c0_i32 = arith.constant 0 : i32
    %c0_i32_0 = arith.constant 0 : i32
    %c0_i32_1 = arith.constant 0 : i32
    return %c0_i32, %c0_i32_0 : i32, i32
  }
  func.func @transform_18(%arg0: i32) -> (i32, i32) {
    %c0_i32 = arith.constant 0 : i32
    %c0_i32_0 = arith.constant 0 : i32
    %c0_i32_1 = arith.constant 0 : i32
    return %c0_i32, %c0_i32_0 : i32, i32
  }
  func.func @transform_19(%arg0: i32) -> (i32, i32) {
    %c0_i32 = arith.constant 0 : i32
    %c0_i32_0 = arith.constant 0 : i32
    %c0_i32_1 = arith.constant 0 : i32
    return %c0_i32, %c0_i32_0 : i32, i32
  }
  func.func @transform_20(%arg0: i32) -> (i32, i32) {
    %c0_i32 = arith.constant 0 : i32
    %c0_i32_0 = arith.constant 0 : i32
    %c0_i32_1 = arith.constant 0 : i32
    return %c0_i32, %c0_i32_0 : i32, i32
  }
  func.func @transform_21(%arg0: i32) -> (i32, i32) {
    %c0_i32 = arith.constant 0 : i32
    %c0_i32_0 = arith.constant 0 : i32
    %c0_i32_1 = arith.constant 0 : i32
    return %c0_i32, %c0_i32_0 : i32, i32
  }
  func.func @transform_22(%arg0: i32) -> (i32, i32) {
    %c0_i32 = arith.constant 0 : i32
    %c0_i32_0 = arith.constant 0 : i32
    %c0_i32_1 = arith.constant 0 : i32
    return %c0_i32, %c0_i32_0 : i32, i32
  }
  func.func @transform_23(%arg0: i32) -> (i32, i32) {
    %c0_i32 = arith.constant 0 : i32
    %c0_i32_0 = arith.constant 0 : i32
    %c0_i32_1 = arith.constant 0 : i32
    return %c0_i32, %c0_i32_0 : i32, i32
  }
  func.func @transform_24(%arg0: i32) -> (i32, i32) {
    %c0_i32 = arith.constant 0 : i32
    %c0_i32_0 = arith.constant 0 : i32
    %c0_i32_1 = arith.constant 0 : i32
    return %c0_i32, %c0_i32_0 : i32, i32
  }
  func.func @transform_25(%arg0: i32) -> (i32, i32, i32) {
    %c0_i32 = arith.constant 0 : i32
    %c0_i32_0 = arith.constant 0 : i32
    %c0_i32_1 = arith.constant 0 : i32
    return %c0_i32, %arg0, %c0_i32_0 : i32, i32, i32
  }
  func.func @transform_26(%arg0: i32) -> (i32, i32, i32) {
    %c0_i32 = arith.constant 0 : i32
    %c0_i32_0 = arith.constant 0 : i32
    %c0_i32_1 = arith.constant 0 : i32
    return %c0_i32, %arg0, %c0_i32_0 : i32, i32, i32
  }
  func.func @transform_27(%arg0: i32) -> (i32, i32, i32) {
    %c0_i32 = arith.constant 0 : i32
    %c0_i32_0 = arith.constant 0 : i32
    %c0_i32_1 = arith.constant 0 : i32
    return %c0_i32, %arg0, %c0_i32_0 : i32, i32, i32
  }
}

</mosaic_0001>

<sc_bundles>
// kernel: kernel.5.cloned.1.call-start
scs
__scs_entry_jumppad:
0x0: {  	(pc) =	sbr.rel $0x88, $3  }
0x1: {  	(tag) =	ssettag $0x0;
	lr =	simm.s32 $0x1  }
0x2: {  	[smem:$0x3F8F] =	sst lr;
	_ =	strace $0xD0000000  }
0x3: {  	_ = 	snop  }
0x4: {  	_ = 	snop  }
0x5: {  	_ = 	snop  }
0x6: {  	_ = 	snop  }
0x7: {  	_ = 	snop  }
__scs_overlays_trampoline_lowered:
0x8: {  	[smem:$0x3F9E] =	sst s0  }
0x9: {  	[smem:$0x3F9F] =	sst s1  }
0xa: {  	[smem:$0x3FA0] =	sst s2  }
0xb: {  	[smem:$0x3FA1] =	sst s3  }
0xc: {  	[smem:$0x3FA2] =	sst s4  }
0xd: {  	[smem:$0x3FA3] =	sst s5  }
0xe: {  	[smem:$0x3FA4] =	sst s6  }
0xf: {  	[smem:$0x3FA5] =	sst s7  }
0x10: {  	[smem:$0x3FA6] =	sst s8  }
0x11: {  	[smem:$0x3FA7] =	sst s9;
	s0 =	simm.s32 @!p0 $0x0  }
0x12: {  	s1 =	sld [smem:$0x3F8D];
	s0 =	simm.s32 @p0 $0x1  }
0x13: {  	[smem:$0x3FA8] =	sst s0;
	s0 =	simm.s32 @!p1 $0x0  }
0x14: {  	s2 =	sld [smem:$0x3F8C];
	s0 =	simm.s32 @p1 $0x1  }
0x15: {  	[smem:$0x3FA9] =	sst s0;
	s0 =	simm.s32 @!p2 $0x0  }
0x16: {  	s3 =	sld [smem:$0x3FDB];
	s0 =	simm.s32 @p2 $0x1  }
0x17: {  	s4 =	simm.s32 $0x1BF5;
	[smem:$0x3FAB] =	sst s0  }
0x18: {  	s0 =	sld [smem:$0x3F8E];
	_ =	swait.ge [sflag:s4], $0x0  }
0x19: {  	s7 =	sld [smem:$0x3F8F]  }
0x1a: {  	s8 =	sadd.s32 $0xFFFFE003, lr  }
0x1b: {  	s9 =	sadd.s32 $0xFFFFFEF7, lr;
	s5 =	simm.s32 $0xFFFFFFFF;
	p2 =	slt.u32 s8, $0xFFFFF086  }
0x1c: {  	p1 =	slt.u32 s9, $0xF7A;
	s5 =	simm.s32 @!p2 $0x0  }
0x1d: {  	s5 =	simm.s32 @p1 $0x1;
	p0 =	seq.s32 s7, s2  }
0x1e: {  	s7 =	smul.u32 @!p0 $0xF7A, s2;
	p2 =	seq.s32 @!p0 s5, $0x0  }
0x1f: {  	s9 =	smul.u32 $0xF7A, s1;
	s8 =	simm.s32 @!p0 $0x1BF5;
	p2 =	por !p2, p0  }
0x20: {  	[sflag:s8] =	ssyncset.s32 @!p0 $0xFFFFF086;
	s6 =	sadd.s32 @!p0 s3, s7;
	s7 =	simm.s32 @!p0 $0x108  }
0x21: {  	s3 =	sadd.s32 s3, s9;
	s6 =	sadd.s32 @!p0 $0x88, s6;
	s7 =	simm.s32 @p2 $0x1082  }
0x22: {  	[simem:s7], [sflag:s8] =	dma.local @!p0 [hbm:s6], $0xF7A  }
0x23: {  	s9 =	sor.u32 $0xD0000000, s2;
	s6 =	simm.s32 $0x108;
	_ =	swait.ge @!p0 [sflag:s8], $0x0  }
0x24: {  	s3 =	sadd.s32 $0x88, s3;
	s6 =	simm.s32 @!p1 $0x1082;
	[sflag:s4] =	ssyncset.s32 $0xFFFFF086  }
0x25: {  	[simem:s6], [sflag:s4] =	dma.local [hbm:s3], $0xF7A  }
0x26: {  	[smem:$0x3F8F] =	sst s1;
	(tag) =	ssettag s2;
	_ =	strace s9  }
0x27: {  	s1 =	sld [smem:$0x3F9F]  }
0x28: {  	s2 =	sld [smem:$0x3FA0]  }
0x29: {  	s4 =	sld [smem:$0x3FA2]  }
0x2a: {  	p0 =	seq.s32 s5, $0x0;
	s5 =	sld [smem:$0x3FA3]  }
0x2b: {  	s6 =	sld [smem:$0x3FA4]  }
0x2c: {  	s7 =	sld [smem:$0x3FA5]  }
0x2d: {  	s3 =	simm.s32 $0x108;
	s8 =	sld [smem:$0x3FA6]  }
0x2e: {  	s3 =	simm.s32 @!p0 $0x1082;
	s9 =	sld [smem:$0x3FA7]  }
0x2f: {  	lr =	sadd.s32 s0, s3;
	s0 =	sld [smem:$0x3F9E]  }
0x30: {  	s3 =	sld [smem:$0x3FA1]  }
0x31: {  	[smem:$0x3FAA] =	sst s10  }
0x32: {  	s10 =	sld [smem:$0x3FA8];
	_ =	sdelay $0x3  }
0x33: {  	p0 =	seq.s32 s10, $0x1;
	s10 =	sld [smem:$0x3FAA];
	_ =	sdelay $0x3  }
0x34: {  	[smem:$0x3FAA] =	sst s10  }
0x35: {  	s10 =	sld [smem:$0x3FA9];
	_ =	sdelay $0x3  }
0x36: {  	p1 =	seq.s32 s10, $0x1;
	s10 =	sld [smem:$0x3FAA];
	_ =	sdelay $0x3  }
0x37: {  	[smem:$0x3FAA] =	sst s10  }
0x38: {  	s10 =	sld [smem:$0x3FAB]  }
0x39: {  	_ = 	snop;
	(pc) =	sbr.ind lr, $3  }
0x3a: {  	_ = 	snop  }
0x3b: {  	_ = 	snop  }
0x3c: {  	p2 =	seq.s32 s10, $0x1;
	s10 =	sld [smem:$0x3FAA]  }
0x3d: {  	_ =	shalt  }
0x3e: {  	_ =	shalt  }
0x3f: {  	_ =	shalt  }
0x40: {  	_ =	shalt  }
0x41: {  	_ =	shalt  }
0x42: {  	_ =	shalt  }
0x43: {  	_ =	shalt  }
0x44: {  	_ =	shalt  }
0x45: {  	_ =	shalt  }
0x46: {  	_ =	shalt  }
0x47: {  	_ =	shalt  }
0x48: {  	_ =	shalt  }
0x49: {  	_ =	shalt  }
0x4a: {  	_ =	shalt  }
0x4b: {  	_ =	shalt  }
0x4c: {  	_ =	shalt  }
0x4d: {  	_ =	shalt  }
0x4e: {  	_ =	shalt  }
0x4f: {  	_ =	shalt  }
0x50: {  	_ =	shalt  }
0x51: {  	_ =	shalt  }
0x52: {  	_ =	shalt  }
0x53: {  	_ =	shalt  }
0x54: {  	_ =	shalt  }
0x55: {  	_ =	shalt  }
0x56: {  	_ =	shalt  }
0x57: {  	_ =	shalt  }
0x58: {  	_ =	shalt  }
0x59: {  	_ =	shalt  }
0x5a: {  	_ =	shalt  }
0x5b: {  	_ =	shalt  }
0x5c: {  	_ =	shalt  }
0x5d: {  	_ =	shalt  }
0x5e: {  	_ =	shalt  }
0x5f: {  	_ =	shalt  }
0x60: {  	_ =	shalt  }
0x61: {  	_ =	shalt  }
0x62: {  	_ =	shalt  }
0x63: {  	_ =	shalt  }
0x64: {  	_ =	shalt  }
0x65: {  	_ =	shalt  }
0x66: {  	_ =	shalt  }
0x67: {  	_ =	shalt  }
0x68: {  	_ =	shalt  }
0x69: {  	_ =	shalt  }
0x6a: {  	_ =	shalt  }
0x6b: {  	_ =	shalt  }
0x6c: {  	_ =	shalt  }
0x6d: {  	_ =	shalt  }
0x6e: {  	_ =	shalt  }
0x6f: {  	_ =	shalt  }
0x70: {  	_ =	shalt  }
0x71: {  	_ =	shalt  }
0x72: {  	_ =	shalt  }
0x73: {  	_ =	shalt  }
0x74: {  	_ =	shalt  }
0x75: {  	_ =	shalt  }
0x76: {  	_ =	shalt  }
0x77: {  	_ =	shalt  }
0x78: {  	_ =	shalt  }
0x79: {  	_ =	shalt  }
0x7a: {  	_ =	shalt  }
0x7b: {  	_ =	shalt  }
0x7c: {  	_ =	shalt  }
0x7d: {  	_ =	shalt  }
0x7e: {  	_ =	shalt  }
0x7f: {  	_ =	shalt  }
0x80: {  	_ =	shalt  }
0x81: {  	_ =	shalt  }
0x82: {  	_ =	shalt  }
0x83: {  	_ =	shalt  }
0x84: {  	_ =	shalt  }
0x85: {  	_ =	shalt  }
0x86: {  	_ =	shalt  }
0x87: {  	_ =	shalt  }
.Lfunc_end0:
.L_simem_size_0:
called_computation_lowered:
.L_overlay_start_0:
0x88: {  	s2 =	sld [smem:$0x3FD9]  }
0x89: {  	s3 =	sld [smem:$0x3FFE];
	_ =	sdelay $0x1  }
0x8a: {  	s1 =	srdreg.scid  }
0x8b: {  	s0 =	sand.u32 $0x1, s1  }
0x8c: {  	s14 =	sshll.u32 s0, $0xA;
	s2 =	sadd.s32 s3, s2  }
0x8d: {  	s2 =	sadd.s32 s2, s14  }
0x8e: {  	[smem:$0x3FB6] =	sst s2  }
0x8f: {  	_ = 	snop  }
0x90: {  	s2 =	sld [smem:$0x3FD0];
	_ =	sdelay $0x2  }
0x91: {  	s15 =	simm.s32 $0xA;
	s4 =	simm.s32 $0x10  }
0x92: {  	[smem:s4], [sflag:s15] =	dma.local [hbm:s2], $0x1  }
0x93: {  	_ =	swait.eq [sflag:s15], $0x1  }
0x94: {  	s16 =	sld [smem:$0x10];
	[sflag:s15] =	ssyncset.done $0x0  }
0x95: {  	s17 =	sld [smem:$0x11];
	[sflag:s15] =	ssyncadd.s32 $0xFFFFFFFF  }
0x96: {  	s18 =	sld [smem:$0x12];
	(tm) =	ssettm $0x1  }
0x97: {  	s5 =	sld [smem:$0x3FFB];
	_ =	sdelay $0x3  }
0x98: {  	_ =	strace s5  }
0x99: {  	s5 =	sld [smem:$0x3FFC];
	_ =	sdelay $0x3  }
0x9a: {  	_ =	strace s5  }
0x9b: {  	s5 =	sld [smem:$0x3FFD];
	_ =	sdelay $0x3  }
0x9c: {  	_ =	strace s5  }
0x9d: {  	_ =	strace $0x8FFFFFFF  }
0x9e: {  	s19 =	sld [smem:$0x3FDB];
	_ =	sdelay $0x1  }
0x9f: {  	s6 =	simm.s32 $_scs_section_size  }
0xa0: {  	s7 =	simm.s32 $_size__tile_overlayer_lowered;
	s8 =	simm.s32 $_tile_overlayer_lowered  }
0xa1: {  	s22 =	simm.s32 $0x1BFF;
	s21 =	sshll.u32 s8, $0x1;
	s5 =	sadd.s32 s6, s19  }
0xa2: {  	s9 =	simm.s32 $0x0;
	s20 =	sshll.u32 s7, $0x1;
	s7 =	sadd.s32 s21, s5  }
0xa3: {  	[timem:s9], [sflag:s22] =	dma.local [hbm:s7], s20  }
0xa4: {  	_ =	swait.ge [sflag:s22], s20  }
0xa5: {  	s6 =	ssub.s32 $0x0, s20;
	[sflag:s22] =	ssyncset.done $0x0  }
0xa6: {  	[sflag:s22] =	ssyncadd.s32 s6;
	_ =	sdelay $0x1  }
0xa7: {  	s23 =	simm.s32 $0x1B8B  }
0xa8: {  	_ =	swait.ge [sflag:s23], $0x1  }
0xa9: {  	[sflag:s23] =	ssyncset.done $0x0  }
0xaa: {  	s25 =	simm.s32 $0x1B8E;
	s24 =	sld [smem:$0x3FFE];
	[sflag:s23] =	ssyncadd.s32 $0xFFFFFFFF  }
0xab: {  	s26 =	simm.s32 $execute0_lowered;
	[smem:$0x3FD2] =	sst s25  }
0xac: {  	s7 =	sshll.u32 s26, $0x1;
	_ =	strace $0x80000046;
	[dreg:$0x1] =	wrdreg $0xFFFFFFFF  }
0xad: {  	s28 =	simm.s32 $_size_execute0_lowered;
	s5 =	sadd.s32 s5, s7;
	[dreg:$0x0] =	wrdreg $0x0  }
0xae: {  	s7 =	sshll.u32 s28, $0x1;
	[dreg:$0x2] =	wrdreg s5  }
0xaf: {  	[dreg:$0x3] =	wrdreg s7  }
0xb0: {  	[dreg:$0x4] =	wrdreg $0xC0  }
0xb1: {  	_ =	task [dreg:s9], $0x5FFFF  }
0xb2: {  	[dreg:$0x1] =	wrdreg $0xFFFFFFFF  }
0xb3: {  	[dreg:$0x0] =	wrdreg $0x60  }
0xb4: {  	[dreg:$0x2] =	wrdreg s18  }
0xb5: {  	[dreg:$0x3] =	wrdreg s17  }
0xb6: {  	[dreg:$0x4] =	wrdreg s16  }
0xb7: {  	[dreg:$0x5] =	wrdreg s24  }
0xb8: {  	[dreg:$0x6] =	wrdreg $0x168000  }
0xb9: {  	[dreg:$0x7] =	wrdreg $0x9  }
0xba: {  	_ =	task.clear_ibuf [dreg:s9], $0x8FFFF;
	_ =	strace $0x90000046  }
0xbb: {  	s29 =	simm.s32 $0x9;
	_ =	strace $0x80000048  }
0xbc: {  	_ =	swait.ge [sflag:s29], $0x1  }
0xbd: {  	[sflag:s29] =	ssyncadd.s32 $0xFFFFFFFF  }
0xbe: {  	_ =	strace $0x90000048  }
0xbf: {  	_ =	sfence  }
0xc0: {  	s30 =	sld [smem:$0x0];
	_ =	sdelay $0x2  }
0xc1: {  	s31 =	sshll.u32 s1, $0xD;
	s1 =	sshrl.u32 s1, $0x2  }
0xc2: {  	s3 =	sand.u32 $0x4000, s31;
	s1 =	sadd.s32 s1, s30  }
0xc3: {  	s0 =	sor.u32 s3, s0;
	s1 =	sshll.u32 s1, $0x11  }
0xc4: {  	s0 =	sor.u32 s1, s0  }
0xc5: {  	s0 =	sadd.s32 $0x8F2B, s0  }
0xc6: {  	[sflag:s0] =	ssyncadd.remote.s32 $0x1  }
0xc7: {  	_ =	sfence.sel $0xFFFF  }
0xc8: {  	[dreg:$0x0] =	wrdreg $0xFFFFFFFF;
	(pc) =	sbr.abs _section_cstart, $3  }
0xc9: {  	[dreg:$0x1] =	wrdreg $0xFFFFFFFF  }
0xca: {  	_ =	task.clear_ibuf [dreg:s9], $0x2FFFF;
	_ =	strace $0x9FFFFFFF  }
0xcb: {  	(tm) =	ssettm $0x7FFFFFFF  }
tec
execute0_lowered:
.L_overlay_start_1:
0x0: {  	(tag) =	ssettag $0x1  }
0x1: {  	s0 =	rddreg [dreg:$0x0]  }
0x2: {  	s2 =	rddreg [dreg:$0x1]  }
0x3: {  	s4 =	rddreg [dreg:$0x2]  }
0x4: {  	s5 =	rddreg [dreg:$0x3]  }
0x5: {  	s1 =	rddreg [dreg:$0x4]  }
0x6: {  	s3 =	simm.s32 $0x0;
	s6 =	srdreg.scid;
	s13 =	stileid.u32  }
0x7: {  	s28 =	simm.s32 $0x2800;
	s29 =	simm.s32 $0x2;
	s30 =	simm.s32 $0x7800  }
0x8: {  	s31 =	simm.s32 $0x3;
	[smem:$0x7FF] =	sst s3;
	s7 =	smul.u32 $0x19000, s13  }
0x9: {  	s6 =	sand.u32 $0x1, s6;
	s8 =	sadd.s32 $0x160A00, s5;
	s11 =	smul.u32 $0xC350, s13  }
0xa: {  	s25 =	sshll.u32 s13, $0x6;
	s9 =	smul.u32 $0xC800, s6;
	s6 =	ssub.s32 $0x2, s6  }
0xb: {  	_ =	strace $0x80000047;
	s26 =	sor.u32 $0x1C0D, s25;
	s23 =	sshrl.u32 s6, $0x1  }
0xc: {  	s24 =	sshrl.u32 s11, $0x1;
	s11 =	sshrl.u32 s11, $0x4;
	[dreg:$0xb] =	wrdreg s26  }
0xd: {  	s7 =	sadd.s32 s9, s7;
	s9 =	ssub.s32 s6, s23;
	s6 =	sadd.s32 s24, s1  }
0xe: {  	s10 =	sadd.s32 $0x12EA00, s5;
	s0 =	sadd.s32 s0, s11;
	[dreg:$0x9] =	wrdreg s6  }
0xf: {  	s12 =	sadd.s32 $0xFCA00, s5;
	s2 =	sadd.s32 s2, s11;
	[dreg:$0xa] =	wrdreg s0  }
0x10: {  	s4 =	sadd.s32 s4, s11;
	s5 =	sadd.s32 s7, s5;
	[dreg:$0xc] =	wrdreg s2  }
0x11: {  	[dreg:$0xd] =	wrdreg s4;
	s6 =	smax.u32 s9, $0x1;
	s11 =	sshrl.u32 s7, $0x3  }
0x12: {  	s13 =	sadd.s32 $0x1E00, s7;
	[dreg:$0xe] =	wrdreg s6;
	s9 =	sadd.s32 $0x319800, s5  }
0x13: {  	s15 =	sadd.s32 $0x1400, s7;
	s14 =	sadd.s32 s11, s8;
	[dreg:$0x6] =	wrdreg s9  }
0x14: {  	s7 =	sadd.s32 $0xA00, s7;
	s18 =	sadd.s32 $0x4A9800, s5;
	[dreg:$0xf] =	wrdreg s14  }
0x15: {  	s2 =	sshrl.u32 s13, $0x3;
	s20 =	sadd.s32 s11, s10;
	[dreg:$0x7] =	wrdreg s18  }
0x16: {  	s4 =	sshrl.u32 s15, $0x3;
	s5 =	sadd.s32 $0x639800, s5;
	[dreg:$0x13] =	wrdreg s20  }
0x17: {  	s7 =	sshrl.u32 s7, $0x3;
	s0 =	sadd.s32 s11, s12;
	[dreg:$0x8] =	wrdreg s5  }
0x18: {  	s13 =	simm.s32 $0xB;
	s16 =	sadd.s32 s2, s8;
	[dreg:$0x17] =	wrdreg s0  }
0x19: {  	s11 =	simm.s32 $0xC;
	s17 =	sadd.s32 s4, s8;
	[dreg:$0x10] =	wrdreg s16  }
0x1a: {  	s19 =	sadd.s32 s7, s8;
	s21 =	sadd.s32 s2, s10;
	[dreg:$0x11] =	wrdreg s17  }
0x1b: {  	s22 =	sadd.s32 s4, s10;
	s23 =	sadd.s32 s7, s10;
	[dreg:$0x12] =	wrdreg s19  }
0x1c: {  	s24 =	sadd.s32 s2, s12;
	s25 =	sadd.s32 s4, s12;
	[dreg:$0x14] =	wrdreg s21  }
0x1d: {  	s26 =	sadd.s32 s7, s12;
	s0 =	simm.s32 $0xC800;
	[dreg:$0x15] =	wrdreg s22  }
0x1e: {  	s2 =	simm.s32 $0x4;
	s4 =	simm.s32 $0x11800;
	[dreg:$0x16] =	wrdreg s23  }
0x1f: {  	s5 =	simm.s32 $0x5;
	s7 =	simm.s32 $0x6;
	[dreg:$0x18] =	wrdreg s24  }
0x20: {  	s8 =	simm.s32 $0x7;
	s9 =	simm.s32 $0x8;
	[dreg:$0x19] =	wrdreg s25  }
0x21: {  	s12 =	simm.s32 $0x9;
	s10 =	simm.s32 $0xA;
	[dreg:$0x1a] =	wrdreg s26  }
0x22: {  	s22 =	simm.s32 $0xD;
	s23 =	simm.s32 $0xA00;
	s24 =	simm.s32 $0x1400  }
0x23: {  	s25 =	simm.s32 $0x1E00;
	s26 =	simm.s32 $0x1;
	s16 =	simm.s32 $0x0  }
.LBB2_1:
0x24: {  	s6 =	rddreg [dreg:$0x9]  }
0x25: {  	s21 =	rddreg [dreg:$0xa]  }
0x26: {  	s14 =	rddreg [dreg:$0xb];
	s17 =	sshrl.u32 s6, $0x3  }
0x27: {  	[spmem:s17], [sflag:s14] =	dma.local [hbm:s21], $0xC35  }
0x28: {  	_ =	swait.ge [sflag:s22], $0xC35  }
0x29: {  	[sflag:s22] =	ssyncset.done $0x0  }
0x2a: {  	[sflag:s22] =	ssyncadd.s32 $0xFFFFF3CB  }
0x2b: {  	[bflag:$0x0] =	sbarrier.arrive $0xFFFF  }
0x2c: {  	s21 =	rddreg [dreg:$0xf]  }
0x2d: {  	[tilespmem:s3], [sflag:$0x1] =	stream.linear.gather [hbm4b:s21+s3], $0xA00, $0x38;
	[tilespmem:$0x1C9A8] =	vst v63  }
0x2e: {  	s19 =	rddreg [dreg:$0x12]  }
0x2f: {  	[tilespmem:s23], [sflag:$0x2] =	stream.linear.gather [hbm4b:s19+s3], $0xA00, $0x38;
	[tilespmem:$0x1C9A8] =	vst v63  }
0x30: {  	s6 =	rddreg [dreg:$0x11]  }
0x31: {  	[tilespmem:s24], [sflag:$0x3] =	stream.linear.gather [hbm4b:s6+s3], $0xA00, $0x38;
	[tilespmem:$0x1C9A8] =	vst v63  }
0x32: {  	s18 =	rddreg [dreg:$0x10]  }
0x33: {  	[tilespmem:s25], [sflag:$0x4] =	stream.linear.gather [hbm4b:s18+s3], $0xA00, $0x38;
	[tilespmem:$0x1C9A8] =	vst v63  }
0x34: {  	_ =	swait.ge [sflag:s26], $0xA00  }
0x35: {  	[sflag:s26] =	ssyncset.done $0x0  }
0x36: {  	[sflag:s26] =	ssyncadd.s32 $0xFFFFF600  }
0x37: {  	[tilespmem:s28], [sflag:$0x5] =	stream.indirect.gather [spmem:s1], $0x8, s3, s23, $0xb8;
	[tilespmem:$0x1C9A8] =	vst v63  }
0x38: {  	_ =	swait.ge [sflag:s29], $0xA00  }
0x39: {  	[sflag:s29] =	ssyncset.done $0x0  }
0x3a: {  	[sflag:s29] =	ssyncadd.s32 $0xFFFFF600  }
0x3b: {  	[tilespmem:s30], [sflag:$0x6] =	stream.indirect.gather [spmem:s1], $0x8, s23, s23, $0xb8;
	[tilespmem:$0x1C9A8] =	vst v63  }
0x3c: {  	_ =	swait.ge [sflag:s31], $0xA00  }
0x3d: {  	[sflag:s31] =	ssyncset.done $0x0  }
0x3e: {  	[sflag:s31] =	ssyncadd.s32 $0xFFFFF600  }
0x3f: {  	[tilespmem:s0], [sflag:$0x7] =	stream.indirect.gather [spmem:s1], $0x8, s24, s23, $0xb8;
	[tilespmem:$0x1C9A8] =	vst v63  }
0x40: {  	_ =	swait.ge [sflag:s2], $0xA00  }
0x41: {  	[sflag:s2] =	ssyncset.done $0x0  }
0x42: {  	[sflag:s2] =	ssyncadd.s32 $0xFFFFF600  }
0x43: {  	[tilespmem:s4], [sflag:$0x8] =	stream.indirect.gather [spmem:s1], $0x8, s25, s23, $0xb8;
	[tilespmem:$0x1C9A8] =	vst v63  }
0x44: {  	_ =	swait.ge [sflag:s5], $0x5000  }
0x45: {  	s15 =	rddreg [dreg:$0x6];
	[sflag:s5] =	ssyncset.done $0x0  }
0x46: {  	[sflag:s5] =	ssyncadd.s32 $0xFFFFB000;
	s14 =	sadd.s32 $0x0, s15  }
0x47: {  	[hbm4b:s14+s3] =	stream.linear.scatter [tilespmem:s28], [sflag:$0x9], $0x5000, $0x38;
	[tilespmem:$0x1C9A8] =	vst v63  }
0x48: {  	_ =	swait.ge [sflag:s7], $0x5000  }
0x49: {  	[sflag:s7] =	ssyncset.done $0x0  }
0x4a: {  	s15 =	sadd.s32 $0xA00, s14;
	[sflag:s7] =	ssyncadd.s32 $0xFFFFB000  }
0x4b: {  	[hbm4b:s15+s3] =	stream.linear.scatter [tilespmem:s30], [sflag:$0xA], $0x5000, $0x38;
	[tilespmem:$0x1C9A8] =	vst v63  }
0x4c: {  	_ =	swait.ge [sflag:s8], $0x5000  }
0x4d: {  	[sflag:s8] =	ssyncset.done $0x0  }
0x4e: {  	s20 =	sadd.s32 $0x1400, s14;
	[sflag:s8] =	ssyncadd.s32 $0xFFFFB000  }
0x4f: {  	[hbm4b:s20+s3] =	stream.linear.scatter [tilespmem:s0], [sflag:$0xB], $0x5000, $0x38;
	[tilespmem:$0x1C9A8] =	vst v63  }
0x50: {  	_ =	swait.ge [sflag:s9], $0x5000  }
0x51: {  	[sflag:s9] =	ssyncset.done $0x0  }
0x52: {  	s14 =	sadd.s32 $0x1E00, s14;
	[sflag:s9] =	ssyncadd.s32 $0xFFFFB000  }
0x53: {  	[hbm4b:s14+s3] =	stream.linear.scatter [tilespmem:s4], [sflag:$0xC], $0x5000, $0x38;
	[tilespmem:$0x1C9A8] =	vst v63  }
0x54: {  	_ =	swait.ge [sflag:s12], $0x5000  }
0x55: {  	[sflag:s12] =	ssyncset.done $0x0  }
0x56: {  	[sflag:s12] =	ssyncadd.s32 $0xFFFFB000  }
0x57: {  	_ =	swait.ge [sflag:s10], $0x5000  }
0x58: {  	[sflag:s10] =	ssyncset.done $0x0  }
0x59: {  	[sflag:s10] =	ssyncadd.s32 $0xFFFFB000  }
0x5a: {  	_ =	swait.ge [sflag:s13], $0x5000  }
0x5b: {  	[sflag:s13] =	ssyncset.done $0x0  }
0x5c: {  	[sflag:s13] =	ssyncadd.s32 $0xFFFFB000  }
0x5d: {  	s15 =	sadd.s32 $0x500, s6;
	_ =	swait.ge [sflag:s11], $0x5000  }
0x5e: {  	s20 =	sadd.s32 $0x500, s19;
	s14 =	simm.s32 $0x2800;
	[sflag:s11] =	ssyncset.done $0x0  }
.LBB2_2:
0x5f: {  	[sflag:s11] =	ssyncadd.s32 $0xFFFFB000;
	s21 =	sadd.s32 $0x500, s21  }
0x60: {  	[tilespmem:s3], [sflag:$0x1] =	stream.linear.gather [hbm4b:s21+s3], $0xA00, $0x38;
	[tilespmem:$0x1C9A8] =	vst v63  }
0x61: {  	_ = 	snop  }
0x62: {  	[tilespmem:s23], [sflag:$0x2] =	stream.linear.gather [hbm4b:s20+s3], $0xA00, $0x38;
	[tilespmem:$0x1C9A8] =	vst v63  }
0x63: {  	_ = 	snop  }
0x64: {  	[tilespmem:s24], [sflag:$0x3] =	stream.linear.gather [hbm4b:s15+s3], $0xA00, $0x38;
	[tilespmem:$0x1C9A8] =	vst v63  }
0x65: {  	s18 =	sadd.s32 $0x500, s18  }
0x66: {  	[tilespmem:s25], [sflag:$0x4] =	stream.linear.gather [hbm4b:s18+s3], $0xA00, $0x38;
	[tilespmem:$0x1C9A8] =	vst v63  }
0x67: {  	_ =	swait.ge [sflag:s26], $0xA00  }
0x68: {  	[sflag:s26] =	ssyncset.done $0x0  }
0x69: {  	[sflag:s26] =	ssyncadd.s32 $0xFFFFF600  }
0x6a: {  	[tilespmem:s28], [sflag:$0x5] =	stream.indirect.gather [spmem:s1], $0x8, s3, s23, $0xb8;
	[tilespmem:$0x1C9A8] =	vst v63  }
0x6b: {  	_ =	swait.ge [sflag:s29], $0xA00  }
0x6c: {  	[sflag:s29] =	ssyncset.done $0x0  }
0x6d: {  	[sflag:s29] =	ssyncadd.s32 $0xFFFFF600  }
0x6e: {  	[tilespmem:s30], [sflag:$0x6] =	stream.indirect.gather [spmem:s1], $0x8, s23, s23, $0xb8;
	[tilespmem:$0x1C9A8] =	vst v63  }
0x6f: {  	_ =	swait.ge [sflag:s31], $0xA00  }
0x70: {  	[sflag:s31] =	ssyncset.done $0x0  }
0x71: {  	[sflag:s31] =	ssyncadd.s32 $0xFFFFF600  }
0x72: {  	[tilespmem:s0], [sflag:$0x7] =	stream.indirect.gather [spmem:s1], $0x8, s24, s23, $0xb8;
	[tilespmem:$0x1C9A8] =	vst v63  }
0x73: {  	_ =	swait.ge [sflag:s2], $0xA00  }
0x74: {  	[sflag:s2] =	ssyncset.done $0x0  }
0x75: {  	[sflag:s2] =	ssyncadd.s32 $0xFFFFF600  }
0x76: {  	[tilespmem:s4], [sflag:$0x8] =	stream.indirect.gather [spmem:s1], $0x8, s25, s23, $0xb8;
	[tilespmem:$0x1C9A8] =	vst v63  }
0x77: {  	_ =	swait.ge [sflag:s5], $0x5000  }
0x78: {  	s19 =	smov.u32 s14;
	s6 =	rddreg [dreg:$0x6];
	[sflag:s5] =	ssyncset.done $0x0  }
0x79: {  	[sflag:s5] =	ssyncadd.s32 $0xFFFFB000;
	s6 =	sadd.s32 s19, s6  }
0x7a: {  	[hbm4b:s6+s3] =	stream.linear.scatter [tilespmem:s28], [sflag:$0x9], $0x5000, $0x38;
	[tilespmem:$0x1C9A8] =	vst v63  }
0x7b: {  	_ =	swait.ge [sflag:s7], $0x5000  }
0x7c: {  	[sflag:s7] =	ssyncset.done $0x0  }
0x7d: {  	s19 =	sadd.s32 $0xA00, s6;
	[sflag:s7] =	ssyncadd.s32 $0xFFFFB000  }
0x7e: {  	[hbm4b:s19+s3] =	stream.linear.scatter [tilespmem:s30], [sflag:$0xA], $0x5000, $0x38;
	[tilespmem:$0x1C9A8] =	vst v63  }
0x7f: {  	_ =	swait.ge [sflag:s8], $0x5000  }
0x80: {  	[sflag:s8] =	ssyncset.done $0x0  }
0x81: {  	s19 =	sadd.s32 $0x1400, s6;
	[sflag:s8] =	ssyncadd.s32 $0xFFFFB000  }
0x82: {  	[hbm4b:s19+s3] =	stream.linear.scatter [tilespmem:s0], [sflag:$0xB], $0x5000, $0x38;
	[tilespmem:$0x1C9A8] =	vst v63  }
0x83: {  	_ =	swait.ge [sflag:s9], $0x5000  }
0x84: {  	[sflag:s9] =	ssyncset.done $0x0  }
0x85: {  	s6 =	sadd.s32 $0x1E00, s6;
	[sflag:s9] =	ssyncadd.s32 $0xFFFFB000  }
0x86: {  	[hbm4b:s6+s3] =	stream.linear.scatter [tilespmem:s4], [sflag:$0xC], $0x5000, $0x38;
	[tilespmem:$0x1C9A8] =	vst v63  }
0x87: {  	_ =	swait.ge [sflag:s12], $0x5000  }
0x88: {  	[sflag:s12] =	ssyncset.done $0x0  }
0x89: {  	[sflag:s12] =	ssyncadd.s32 $0xFFFFB000  }
0x8a: {  	_ =	swait.ge [sflag:s10], $0x5000  }
0x8b: {  	[sflag:s10] =	ssyncset.done $0x0  }
0x8c: {  	p0 =	sne.s32 s14, $0xA000;
	[sflag:s10] =	ssyncadd.s32 $0xFFFFB000  }
.Ltmp0:
0x8d: {  	_ =	swait.ge [sflag:s13], $0x5000;
	(pc) =	sbr.rel @p0 .LBB2_2-.Ltmp0, $4  }
0x8e: {  	[sflag:s13] =	ssyncset.done $0x0  }
0x8f: {  	[sflag:s13] =	ssyncadd.s32 $0xFFFFB000  }
0x90: {  	s14 =	sadd.s32 $0x2800, s14;
	_ =	swait.ge [sflag:s11], $0x5000  }
0x91: {  	s20 =	sadd.s32 $0x500, s20;
	s15 =	sadd.s32 $0x500, s15;
	[sflag:s11] =	ssyncset.done $0x0  }
0x92: {  	[sflag:s11] =	ssyncadd.s32 $0xFFFFB000  }
0x93: {  	[bflag:$0x0] =	sbarrier.arrive $0xFFFF  }
0x94: {  	s6 =	rddreg [dreg:$0xb]  }
0x95: {  	s14 =	rddreg [dreg:$0xc]  }
0x96: {  	[spmem:s17], [sflag:s6] =	dma.local [hbm:s14], $0xC35  }
0x97: {  	_ =	swait.ge [sflag:s22], $0xC35  }
0x98: {  	[sflag:s22] =	ssyncset.done $0x0  }
0x99: {  	[sflag:s22] =	ssyncadd.s32 $0xFFFFF3CB  }
0x9a: {  	[bflag:$0x0] =	sbarrier.arrive $0xFFFF  }
0x9b: {  	s21 =	rddreg [dreg:$0x13]  }
0x9c: {  	[tilespmem:s3], [sflag:$0x1] =	stream.linear.gather [hbm4b:s21+s3], $0xA00, $0x38;
	[tilespmem:$0x1C9A8] =	vst v63  }
0x9d: {  	s19 =	rddreg [dreg:$0x16]  }
0x9e: {  	[tilespmem:s23], [sflag:$0x2] =	stream.linear.gather [hbm4b:s19+s3], $0xA00, $0x38;
	[tilespmem:$0x1C9A8] =	vst v63  }
0x9f: {  	s15 =	rddreg [dreg:$0x15]  }
0xa0: {  	[tilespmem:s24], [sflag:$0x3] =	stream.linear.gather [hbm4b:s15+s3], $0xA00, $0x38;
	[tilespmem:$0x1C9A8] =	vst v63  }
0xa1: {  	s18 =	rddreg [dreg:$0x14]  }
0xa2: {  	[tilespmem:s25], [sflag:$0x4] =	stream.linear.gather [hbm4b:s18+s3], $0xA00, $0x38;
	[tilespmem:$0x1C9A8] =	vst v63  }
0xa3: {  	_ =	swait.ge [sflag:s26], $0xA00  }
0xa4: {  	[sflag:s26] =	ssyncset.done $0x0  }
0xa5: {  	[sflag:s26] =	ssyncadd.s32 $0xFFFFF600  }
0xa6: {  	[tilespmem:s28], [sflag:$0x5] =	stream.indirect.gather [spmem:s1], $0x8, s3, s23, $0xb8;
	[tilespmem:$0x1C9A8] =	vst v63  }
0xa7: {  	_ =	swait.ge [sflag:s29], $0xA00  }
0xa8: {  	[sflag:s29] =	ssyncset.done $0x0  }
0xa9: {  	[sflag:s29] =	ssyncadd.s32 $0xFFFFF600  }
0xaa: {  	[tilespmem:s30], [sflag:$0x6] =	stream.indirect.gather [spmem:s1], $0x8, s23, s23, $0xb8;
	[tilespmem:$0x1C9A8] =	vst v63  }
0xab: {  	_ =	swait.ge [sflag:s31], $0xA00  }
0xac: {  	[sflag:s31] =	ssyncset.done $0x0  }
0xad: {  	[sflag:s31] =	ssyncadd.s32 $0xFFFFF600  }
0xae: {  	[tilespmem:s0], [sflag:$0x7] =	stream.indirect.gather [spmem:s1], $0x8, s24, s23, $0xb8;
	[tilespmem:$0x1C9A8] =	vst v63  }
0xaf: {  	_ =	swait.ge [sflag:s2], $0xA00  }
0xb0: {  	[sflag:s2] =	ssyncset.done $0x0  }
0xb1: {  	[sflag:s2] =	ssyncadd.s32 $0xFFFFF600  }
0xb2: {  	[tilespmem:s4], [sflag:$0x8] =	stream.indirect.gather [spmem:s1], $0x8, s25, s23, $0xb8;
	[tilespmem:$0x1C9A8] =	vst v63  }
0xb3: {  	_ =	swait.ge [sflag:s5], $0x5000  }
0xb4: {  	s14 =	rddreg [dreg:$0x7];
	[sflag:s5] =	ssyncset.done $0x0  }
0xb5: {  	[sflag:s5] =	ssyncadd.s32 $0xFFFFB000;
	s6 =	sadd.s32 $0x0, s14  }
0xb6: {  	[hbm4b:s6+s3] =	stream.linear.scatter [tilespmem:s28], [sflag:$0x9], $0x5000, $0x38;
	[tilespmem:$0x1C9A8] =	vst v63  }
0xb7: {  	_ =	swait.ge [sflag:s7], $0x5000  }
0xb8: {  	[sflag:s7] =	ssyncset.done $0x0  }
0xb9: {  	s20 =	sadd.s32 $0xA00, s6;
	[sflag:s7] =	ssyncadd.s32 $0xFFFFB000  }
0xba: {  	[hbm4b:s20+s3] =	stream.linear.scatter [tilespmem:s30], [sflag:$0xA], $0x5000, $0x38;
	[tilespmem:$0x1C9A8] =	vst v63  }
0xbb: {  	_ =	swait.ge [sflag:s8], $0x5000  }
0xbc: {  	[sflag:s8] =	ssyncset.done $0x0  }
0xbd: {  	s20 =	sadd.s32 $0x1400, s6;
	[sflag:s8] =	ssyncadd.s32 $0xFFFFB000  }
0xbe: {  	[hbm4b:s20+s3] =	stream.linear.scatter [tilespmem:s0], [sflag:$0xB], $0x5000, $0x38;
	[tilespmem:$0x1C9A8] =	vst v63  }
0xbf: {  	_ =	swait.ge [sflag:s9], $0x5000  }
0xc0: {  	[sflag:s9] =	ssyncset.done $0x0  }
0xc1: {  	s6 =	sadd.s32 $0x1E00, s6;
	[sflag:s9] =	ssyncadd.s32 $0xFFFFB000  }
0xc2: {  	[hbm4b:s6+s3] =	stream.linear.scatter [tilespmem:s4], [sflag:$0xC], $0x5000, $0x38;
	[tilespmem:$0x1C9A8] =	vst v63  }
0xc3: {  	_ =	swait.ge [sflag:s12], $0x5000  }
0xc4: {  	[sflag:s12] =	ssyncset.done $0x0  }
0xc5: {  	[sflag:s12] =	ssyncadd.s32 $0xFFFFB000  }
0xc6: {  	_ =	swait.ge [sflag:s10], $0x5000  }
0xc7: {  	[sflag:s10] =	ssyncset.done $0x0  }
0xc8: {  	[sflag:s10] =	ssyncadd.s32 $0xFFFFB000  }
0xc9: {  	_ =	swait.ge [sflag:s13], $0x5000  }
0xca: {  	[sflag:s13] =	ssyncset.done $0x0  }
0xcb: {  	[sflag:s13] =	ssyncadd.s32 $0xFFFFB000  }
0xcc: {  	s15 =	sadd.s32 $0x500, s15;
	_ =	swait.ge [sflag:s11], $0x5000  }
0xcd: {  	s14 =	simm.s32 $0x2800;
	s20 =	sadd.s32 $0x500, s19;
	[sflag:s11] =	ssyncset.done $0x0  }
.LBB2_4:
0xce: {  	[sflag:s11] =	ssyncadd.s32 $0xFFFFB000;
	s21 =	sadd.s32 $0x500, s21  }
0xcf: {  	[tilespmem:s3], [sflag:$0x1] =	stream.linear.gather [hbm4b:s21+s3], $0xA00, $0x38;
	[tilespmem:$0x1C9A8] =	vst v63  }
0xd0: {  	_ = 	snop  }
0xd1: {  	[tilespmem:s23], [sflag:$0x2] =	stream.linear.gather [hbm4b:s20+s3], $0xA00, $0x38;
	[tilespmem:$0x1C9A8] =	vst v63  }
0xd2: {  	_ = 	snop  }
0xd3: {  	[tilespmem:s24], [sflag:$0x3] =	stream.linear.gather [hbm4b:s15+s3], $0xA00, $0x38;
	[tilespmem:$0x1C9A8] =	vst v63  }
0xd4: {  	s18 =	sadd.s32 $0x500, s18  }
0xd5: {  	[tilespmem:s25], [sflag:$0x4] =	stream.linear.gather [hbm4b:s18+s3], $0xA00, $0x38;
	[tilespmem:$0x1C9A8] =	vst v63  }
0xd6: {  	_ =	swait.ge [sflag:s26], $0xA00  }
0xd7: {  	[sflag:s26] =	ssyncset.done $0x0  }
0xd8: {  	[sflag:s26] =	ssyncadd.s32 $0xFFFFF600  }
0xd9: {  	[tilespmem:s28], [sflag:$0x5] =	stream.indirect.gather [spmem:s1], $0x8, s3, s23, $0xb8;
	[tilespmem:$0x1C9A8] =	vst v63  }
0xda: {  	_ =	swait.ge [sflag:s29], $0xA00  }
0xdb: {  	[sflag:s29] =	ssyncset.done $0x0  }
0xdc: {  	[sflag:s29] =	ssyncadd.s32 $0xFFFFF600  }
0xdd: {  	[tilespmem:s30], [sflag:$0x6] =	stream.indirect.gather [spmem:s1], $0x8, s23, s23, $0xb8;
	[tilespmem:$0x1C9A8] =	vst v63  }
0xde: {  	_ =	swait.ge [sflag:s31], $0xA00  }
0xdf: {  	[sflag:s31] =	ssyncset.done $0x0  }
0xe0: {  	[sflag:s31] =	ssyncadd.s32 $0xFFFFF600  }
0xe1: {  	[tilespmem:s0], [sflag:$0x7] =	stream.indirect.gather [spmem:s1], $0x8, s24, s23, $0xb8;
	[tilespmem:$0x1C9A8] =	vst v63  }
0xe2: {  	_ =	swait.ge [sflag:s2], $0xA00  }
0xe3: {  	[sflag:s2] =	ssyncset.done $0x0  }
0xe4: {  	[sflag:s2] =	ssyncadd.s32 $0xFFFFF600  }
0xe5: {  	[tilespmem:s4], [sflag:$0x8] =	stream.indirect.gather [spmem:s1], $0x8, s25, s23, $0xb8;
	[tilespmem:$0x1C9A8] =	vst v63  }
0xe6: {  	_ =	swait.ge [sflag:s5], $0x5000  }
0xe7: {  	s6 =	smov.u32 s14;
	s19 =	rddreg [dreg:$0x7];
	[sflag:s5] =	ssyncset.done $0x0  }
0xe8: {  	[sflag:s5] =	ssyncadd.s32 $0xFFFFB000;
	s6 =	sadd.s32 s6, s19  }
0xe9: {  	[hbm4b:s6+s3] =	stream.linear.scatter [tilespmem:s28], [sflag:$0x9], $0x5000, $0x38;
	[tilespmem:$0x1C9A8] =	vst v63  }
0xea: {  	_ =	swait.ge [sflag:s7], $0x5000  }
0xeb: {  	[sflag:s7] =	ssyncset.done $0x0  }
0xec: {  	s19 =	sadd.s32 $0xA00, s6;
	[sflag:s7] =	ssyncadd.s32 $0xFFFFB000  }
0xed: {  	[hbm4b:s19+s3] =	stream.linear.scatter [tilespmem:s30], [sflag:$0xA], $0x5000, $0x38;
	[tilespmem:$0x1C9A8] =	vst v63  }
0xee: {  	_ =	swait.ge [sflag:s8], $0x5000  }
0xef: {  	[sflag:s8] =	ssyncset.done $0x0  }
0xf0: {  	s19 =	sadd.s32 $0x1400, s6;
	[sflag:s8] =	ssyncadd.s32 $0xFFFFB000  }
0xf1: {  	[hbm4b:s19+s3] =	stream.linear.scatter [tilespmem:s0], [sflag:$0xB], $0x5000, $0x38;
	[tilespmem:$0x1C9A8] =	vst v63  }
0xf2: {  	_ =	swait.ge [sflag:s9], $0x5000  }
0xf3: {  	[sflag:s9] =	ssyncset.done $0x0  }
0xf4: {  	s6 =	sadd.s32 $0x1E00, s6;
	[sflag:s9] =	ssyncadd.s32 $0xFFFFB000  }
0xf5: {  	[hbm4b:s6+s3] =	stream.linear.scatter [tilespmem:s4], [sflag:$0xC], $0x5000, $0x38;
	[tilespmem:$0x1C9A8] =	vst v63  }
0xf6: {  	_ =	swait.ge [sflag:s12], $0x5000  }
0xf7: {  	[sflag:s12] =	ssyncset.done $0x0  }
0xf8: {  	[sflag:s12] =	ssyncadd.s32 $0xFFFFB000  }
0xf9: {  	_ =	swait.ge [sflag:s10], $0x5000  }
0xfa: {  	[sflag:s10] =	ssyncset.done $0x0  }
0xfb: {  	p0 =	sne.s32 s14, $0xA000;
	[sflag:s10] =	ssyncadd.s32 $0xFFFFB000  }
.Ltmp1:
0xfc: {  	_ =	swait.ge [sflag:s13], $0x5000;
	(pc) =	sbr.rel @p0 .LBB2_4-.Ltmp1, $4  }
0xfd: {  	[sflag:s13] =	ssyncset.done $0x0  }
0xfe: {  	[sflag:s13] =	ssyncadd.s32 $0xFFFFB000  }
0xff: {  	s14 =	sadd.s32 $0x2800, s14;
	_ =	swait.ge [sflag:s11], $0x5000  }
0x100: {  	s20 =	sadd.s32 $0x500, s20;
	s15 =	sadd.s32 $0x500, s15;
	[sflag:s11] =	ssyncset.done $0x0  }
0x101: {  	[sflag:s11] =	ssyncadd.s32 $0xFFFFB000  }
0x102: {  	[bflag:$0x0] =	sbarrier.arrive $0xFFFF  }
0x103: {  	s6 =	rddreg [dreg:$0xb]  }
0x104: {  	s14 =	rddreg [dreg:$0xd]  }
0x105: {  	[spmem:s17], [sflag:s6] =	dma.local [hbm:s14], $0xC35  }
0x106: {  	_ =	swait.ge [sflag:s22], $0xC35  }
0x107: {  	[sflag:s22] =	ssyncset.done $0x0  }
0x108: {  	[sflag:s22] =	ssyncadd.s32 $0xFFFFF3CB  }
0x109: {  	[bflag:$0x0] =	sbarrier.arrive $0xFFFF  }
0x10a: {  	s20 =	rddreg [dreg:$0x17]  }
0x10b: {  	[tilespmem:s3], [sflag:$0x1] =	stream.linear.gather [hbm4b:s20+s3], $0xA00, $0x38;
	[tilespmem:$0x1C9A8] =	vst v63  }
0x10c: {  	s17 =	rddreg [dreg:$0x1a]  }
0x10d: {  	[tilespmem:s23], [sflag:$0x2] =	stream.linear.gather [hbm4b:s17+s3], $0xA00, $0x38;
	[tilespmem:$0x1C9A8] =	vst v63  }
0x10e: {  	s15 =	rddreg [dreg:$0x19]  }
0x10f: {  	[tilespmem:s24], [sflag:$0x3] =	stream.linear.gather [hbm4b:s15+s3], $0xA00, $0x38;
	[tilespmem:$0x1C9A8] =	vst v63  }
0x110: {  	s18 =	rddreg [dreg:$0x18]  }
0x111: {  	[tilespmem:s25], [sflag:$0x4] =	stream.linear.gather [hbm4b:s18+s3], $0xA00, $0x38;
	[tilespmem:$0x1C9A8] =	vst v63  }
0x112: {  	_ =	swait.ge [sflag:s26], $0xA00  }
0x113: {  	[sflag:s26] =	ssyncset.done $0x0  }
0x114: {  	[sflag:s26] =	ssyncadd.s32 $0xFFFFF600  }
0x115: {  	[tilespmem:s28], [sflag:$0x5] =	stream.indirect.gather [spmem:s1], $0x8, s3, s23, $0xb8;
	[tilespmem:$0x1C9A8] =	vst v63  }
0x116: {  	_ =	swait.ge [sflag:s29], $0xA00  }
0x117: {  	[sflag:s29] =	ssyncset.done $0x0  }
0x118: {  	[sflag:s29] =	ssyncadd.s32 $0xFFFFF600  }
0x119: {  	[tilespmem:s30], [sflag:$0x6] =	stream.indirect.gather [spmem:s1], $0x8, s23, s23, $0xb8;
	[tilespmem:$0x1C9A8] =	vst v63  }
0x11a: {  	_ =	swait.ge [sflag:s31], $0xA00  }
0x11b: {  	[sflag:s31] =	ssyncset.done $0x0  }
0x11c: {  	[sflag:s31] =	ssyncadd.s32 $0xFFFFF600  }
0x11d: {  	[tilespmem:s0], [sflag:$0x7] =	stream.indirect.gather [spmem:s1], $0x8, s24, s23, $0xb8;
	[tilespmem:$0x1C9A8] =	vst v63  }
0x11e: {  	_ =	swait.ge [sflag:s2], $0xA00  }
0x11f: {  	[sflag:s2] =	ssyncset.done $0x0  }
0x120: {  	[sflag:s2] =	ssyncadd.s32 $0xFFFFF600  }
0x121: {  	[tilespmem:s4], [sflag:$0x8] =	stream.indirect.gather [spmem:s1], $0x8, s25, s23, $0xb8;
	[tilespmem:$0x1C9A8] =	vst v63  }
0x122: {  	_ =	swait.ge [sflag:s5], $0x5000  }
0x123: {  	s14 =	rddreg [dreg:$0x8];
	[sflag:s5] =	ssyncset.done $0x0  }
0x124: {  	[sflag:s5] =	ssyncadd.s32 $0xFFFFB000;
	s6 =	sadd.s32 $0x0, s14  }
0x125: {  	[hbm4b:s6+s3] =	stream.linear.scatter [tilespmem:s28], [sflag:$0x9], $0x5000, $0x38;
	[tilespmem:$0x1C9A8] =	vst v63  }
0x126: {  	_ =	swait.ge [sflag:s7], $0x5000  }
0x127: {  	[sflag:s7] =	ssyncset.done $0x0  }
0x128: {  	s19 =	sadd.s32 $0xA00, s6;
	[sflag:s7] =	ssyncadd.s32 $0xFFFFB000  }
0x129: {  	[hbm4b:s19+s3] =	stream.linear.scatter [tilespmem:s30], [sflag:$0xA], $0x5000, $0x38;
	[tilespmem:$0x1C9A8] =	vst v63  }
0x12a: {  	_ =	swait.ge [sflag:s8], $0x5000  }
0x12b: {  	[sflag:s8] =	ssyncset.done $0x0  }
0x12c: {  	s21 =	sadd.s32 $0x1400, s6;
	[sflag:s8] =	ssyncadd.s32 $0xFFFFB000  }
0x12d: {  	[hbm4b:s21+s3] =	stream.linear.scatter [tilespmem:s0], [sflag:$0xB], $0x5000, $0x38;
	[tilespmem:$0x1C9A8] =	vst v63  }
0x12e: {  	_ =	swait.ge [sflag:s9], $0x5000  }
0x12f: {  	[sflag:s9] =	ssyncset.done $0x0  }
0x130: {  	s6 =	sadd.s32 $0x1E00, s6;
	[sflag:s9] =	ssyncadd.s32 $0xFFFFB000  }
0x131: {  	[hbm4b:s6+s3] =	stream.linear.scatter [tilespmem:s4], [sflag:$0xC], $0x5000, $0x38;
	[tilespmem:$0x1C9A8] =	vst v63  }
0x132: {  	_ =	swait.ge [sflag:s12], $0x5000  }
0x133: {  	[sflag:s12] =	ssyncset.done $0x0  }
0x134: {  	[sflag:s12] =	ssyncadd.s32 $0xFFFFB000  }
0x135: {  	_ =	swait.ge [sflag:s10], $0x5000  }
0x136: {  	[sflag:s10] =	ssyncset.done $0x0  }
0x137: {  	[sflag:s10] =	ssyncadd.s32 $0xFFFFB000  }
0x138: {  	_ =	swait.ge [sflag:s13], $0x5000  }
0x139: {  	[sflag:s13] =	ssyncset.done $0x0  }
0x13a: {  	[sflag:s13] =	ssyncadd.s32 $0xFFFFB000  }
0x13b: {  	s17 =	sadd.s32 $0x500, s17;
	_ =	swait.ge [sflag:s11], $0x5000  }
0x13c: {  	s15 =	sadd.s32 $0x500, s15;
	s14 =	simm.s32 $0x2800;
	[sflag:s11] =	ssyncset.done $0x0  }
.LBB2_6:
0x13d: {  	[sflag:s11] =	ssyncadd.s32 $0xFFFFB000;
	s20 =	sadd.s32 $0x500, s20  }
0x13e: {  	[tilespmem:s3], [sflag:$0x1] =	stream.linear.gather [hbm4b:s20+s3], $0xA00, $0x38;
	[tilespmem:$0x1C9A8] =	vst v63  }
0x13f: {  	_ = 	snop  }
0x140: {  	[tilespmem:s23], [sflag:$0x2] =	stream.linear.gather [hbm4b:s17+s3], $0xA00, $0x38;
	[tilespmem:$0x1C9A8] =	vst v63  }
0x141: {  	_ = 	snop  }
0x142: {  	[tilespmem:s24], [sflag:$0x3] =	stream.linear.gather [hbm4b:s15+s3], $0xA00, $0x38;
	[tilespmem:$0x1C9A8] =	vst v63  }
0x143: {  	s18 =	sadd.s32 $0x500, s18  }
0x144: {  	[tilespmem:s25], [sflag:$0x4] =	stream.linear.gather [hbm4b:s18+s3], $0xA00, $0x38;
	[tilespmem:$0x1C9A8] =	vst v63  }
0x145: {  	_ =	swait.ge [sflag:s26], $0xA00  }
0x146: {  	[sflag:s26] =	ssyncset.done $0x0  }
0x147: {  	[sflag:s26] =	ssyncadd.s32 $0xFFFFF600  }
0x148: {  	[tilespmem:s28], [sflag:$0x5] =	stream.indirect.gather [spmem:s1], $0x8, s3, s23, $0xb8;
	[tilespmem:$0x1C9A8] =	vst v63  }
0x149: {  	_ =	swait.ge [sflag:s29], $0xA00  }
0x14a: {  	[sflag:s29] =	ssyncset.done $0x0  }
0x14b: {  	[sflag:s29] =	ssyncadd.s32 $0xFFFFF600  }
0x14c: {  	[tilespmem:s30], [sflag:$0x6] =	stream.indirect.gather [spmem:s1], $0x8, s23, s23, $0xb8;
	[tilespmem:$0x1C9A8] =	vst v63  }
0x14d: {  	_ =	swait.ge [sflag:s31], $0xA00  }
0x14e: {  	[sflag:s31] =	ssyncset.done $0x0  }
0x14f: {  	[sflag:s31] =	ssyncadd.s32 $0xFFFFF600  }
0x150: {  	[tilespmem:s0], [sflag:$0x7] =	stream.indirect.gather [spmem:s1], $0x8, s24, s23, $0xb8;
	[tilespmem:$0x1C9A8] =	vst v63  }
0x151: {  	_ =	swait.ge [sflag:s2], $0xA00  }
0x152: {  	[sflag:s2] =	ssyncset.done $0x0  }
0x153: {  	[sflag:s2] =	ssyncadd.s32 $0xFFFFF600  }
0x154: {  	[tilespmem:s4], [sflag:$0x8] =	stream.indirect.gather [spmem:s1], $0x8, s25, s23, $0xb8;
	[tilespmem:$0x1C9A8] =	vst v63  }
0x155: {  	_ =	swait.ge [sflag:s5], $0x5000  }
0x156: {  	s6 =	smov.u32 s14;
	s19 =	rddreg [dreg:$0x8];
	[sflag:s5] =	ssyncset.done $0x0  }
0x157: {  	[sflag:s5] =	ssyncadd.s32 $0xFFFFB000;
	s6 =	sadd.s32 s6, s19  }
0x158: {  	[hbm4b:s6+s3] =	stream.linear.scatter [tilespmem:s28], [sflag:$0x9], $0x5000, $0x38;
	[tilespmem:$0x1C9A8] =	vst v63  }
0x159: {  	_ =	swait.ge [sflag:s7], $0x5000  }
0x15a: {  	[sflag:s7] =	ssyncset.done $0x0  }
0x15b: {  	s19 =	sadd.s32 $0xA00, s6;
	[sflag:s7] =	ssyncadd.s32 $0xFFFFB000  }
0x15c: {  	[hbm4b:s19+s3] =	stream.linear.scatter [tilespmem:s30], [sflag:$0xA], $0x5000, $0x38;
	[tilespmem:$0x1C9A8] =	vst v63  }
0x15d: {  	_ =	swait.ge [sflag:s8], $0x5000  }
0x15e: {  	[sflag:s8] =	ssyncset.done $0x0  }
0x15f: {  	s21 =	sadd.s32 $0x1400, s6;
	[sflag:s8] =	ssyncadd.s32 $0xFFFFB000  }
0x160: {  	[hbm4b:s21+s3] =	stream.linear.scatter [tilespmem:s0], [sflag:$0xB], $0x5000, $0x38;
	[tilespmem:$0x1C9A8] =	vst v63  }
0x161: {  	_ =	swait.ge [sflag:s9], $0x5000  }
0x162: {  	[sflag:s9] =	ssyncset.done $0x0  }
0x163: {  	s6 =	sadd.s32 $0x1E00, s6;
	[sflag:s9] =	ssyncadd.s32 $0xFFFFB000  }
0x164: {  	[hbm4b:s6+s3] =	stream.linear.scatter [tilespmem:s4], [sflag:$0xC], $0x5000, $0x38;
	[tilespmem:$0x1C9A8] =	vst v63  }
0x165: {  	_ =	swait.ge [sflag:s12], $0x5000  }
0x166: {  	[sflag:s12] =	ssyncset.done $0x0  }
0x167: {  	[sflag:s12] =	ssyncadd.s32 $0xFFFFB000  }
0x168: {  	_ =	swait.ge [sflag:s10], $0x5000  }
0x169: {  	[sflag:s10] =	ssyncset.done $0x0  }
0x16a: {  	p0 =	sne.s32 s14, $0xA000;
	[sflag:s10] =	ssyncadd.s32 $0xFFFFB000  }
.Ltmp2:
0x16b: {  	_ =	swait.ge [sflag:s13], $0x5000;
	(pc) =	sbr.rel @p0 .LBB2_6-.Ltmp2, $4  }
0x16c: {  	[sflag:s13] =	ssyncset.done $0x0  }
0x16d: {  	[sflag:s13] =	ssyncadd.s32 $0xFFFFB000  }
0x16e: {  	s14 =	sadd.s32 $0x2800, s14;
	_ =	swait.ge [sflag:s11], $0x5000  }
0x16f: {  	s17 =	sadd.s32 $0x500, s17;
	s15 =	sadd.s32 $0x500, s15;
	[sflag:s11] =	ssyncset.done $0x0  }
0x170: {  	s16 =	sadd.s32 $0x1, s16;
	s6 =	rddreg [dreg:$0xe]  }
0x171: {  	p0 =	sne.s32 s16, s6  }
.Ltmp3:
0x172: {  	_ = 	snop;
	(pc) =	sbr.rel @p0 .LBB2_1-.Ltmp3, $3  }
0x173: {  	_ = 	snop  }
0x174: {  	[sflag:s11] =	ssyncadd.s32 $0xFFFFB000  }
0x175: {  	[bflag:$0x0] =	sbarrier.arrive $0xFFFF;
	_ =	sdelay $0x1  }
0x176: {  	_ =	sfence.sel $0x180000  }
0x177: {  	[bflag:$0x0] =	sbarrier.arrive $0xFFFF  }
0x178: {  	_ =	strace $0x90000047  }
0x179: {  	s0 =	stileid.u32;
	[bflag:$0x2] =	sbarrier.arrive $0xFFFF  }
0x17a: {  	p0 =	sne.s32 s0, $0x0;
	s0 =	rddreg [dreg:$0x5]  }
0x17b: {  	s0 =	sadd.s32 @!p0 $0x100000, s0  }
0x17c: {  	[sflag:s0] =	ssyncadd.tile.s32 @!p0 $0x1;
	_ =	shalt  }
.Lfunc_end2:
_tile_overlayer_lowered:
.L_overlay_start_2:
0x17d: {  	(tag) =	ssettag $0x2  }
0x17e: {  	s0 =	rddreg [dreg:$0x0];
	s2 =	stileid.u32  }
0x17f: {  	s1 =	rddreg [dreg:$0x1];
	p0 =	sne.s32 s2, $0x0  }
0x180: {  	s3 =	rddreg [dreg:$0x2];
	[bflag:$0x3] =	sbarrier.arrive $0xFFFF;
	s2 =	simm.s32 @!p0 $0x1C0D  }
0x181: {  	[timem:s3], [sflag:s2] =	dma.local @!p0 [hbm:s0], s1  }
0x182: {  	s0 =	simm.s32 @!p0 $0xD  }
0x183: {  	_ =	swait.ge @!p0 [sflag:s0], s1  }
0x184: {  	s1 =	ssub.s32 @!p0 $0x0, s1;
	[sflag:s0] =	ssyncset.done @!p0 $0x0  }
0x185: {  	[sflag:s0] =	ssyncadd.s32 @!p0 s1  }
0x186: {  	[bflag:$0x3] =	sbarrier.arrive $0xFFFF  }
0x187: {  	_ =	shalt  }

</sc_bundles>
